<compile_context>
chip_gen: v7x
topology: tpu7x:2x2x1
jax: 0.10.2.dev20260603
libtpu: 0.0.44.dev20260713+nightly
codegen_flags: <defaults>
</compile_context>

<pallas_src>
import functools

import jax
import jax.numpy as jnp
from jax import lax
from jax.experimental import pallas as pl
from jax.experimental.pallas import tpu as pltpu
from jax.experimental.pallas import tpu_sc as plsc

NUM_WORKERS = 32
LANES = 16

CH = 8
NBUF = 4
OFF = NBUF // 2


@functools.partial(jax.jit, static_argnames=("num_codebooks", "vocab_size"))
def _sc_embedding_gather(flat_ids, table, *, num_codebooks, vocab_size):
    total_rows, = flat_ids.shape
    _, hidden = table.shape
    rows_per_w = total_rows // NUM_WORKERS
    nchunks = rows_per_w // CH
    assert rows_per_w * NUM_WORKERS == total_rows
    assert nchunks * CH == rows_per_w
    assert nchunks % NBUF == 0 and nchunks // NBUF >= 2

    mesh = plsc.VectorSubcoreMesh(core_axis_name="c", subcore_axis_name="s")

    @functools.partial(
        pl.kernel,
        mesh=mesh,
        out_type=jax.ShapeDtypeStruct((total_rows, hidden), jnp.float32),
        scratch_types=(
            [pltpu.VMEM((rows_per_w,), jnp.int32)]
            + [pltpu.VMEM((CH, hidden), jnp.float32) for _ in range(NBUF)]
            + [pltpu.SemaphoreType.DMA for _ in range(2 * NBUF)]
        ),
    )
    def body(ids_hbm, table_hbm, out_hbm, idx_v, *bufs_and_sems):
        rows = bufs_and_sems[:NBUF]
        gsem = bufs_and_sems[NBUF:2 * NBUF]
        ssem = bufs_and_sems[2 * NBUF:]
        wid = lax.axis_index("s") * 2 + lax.axis_index("c")
        base = wid * rows_per_w

        pltpu.sync_copy(ids_hbm.at[pl.ds(base, rows_per_w)], idx_v)

        lane = lax.iota(jnp.int32, LANES)

        def add_offsets(i, _):
            pos = base + i * LANES + lane
            cb = lax.rem(pos, num_codebooks)
            sl = pl.ds(i * LANES, LANES)
            idx_v[sl] = idx_v[sl] + cb * vocab_size
            return 0

        lax.fori_loop(0, rows_per_w // LANES, add_offsets, 0, unroll=4)

        def gather_start(b, chunk):
            pltpu.make_async_copy(
                table_hbm.at[idx_v.at[pl.ds(chunk * CH, CH)]], rows[b], gsem[b]
            ).start()

        def gather_wait(b):
            pltpu.make_async_copy(
                table_hbm.at[pl.ds(0, CH)], rows[b], gsem[b]
            ).wait()

        def store_start(b, chunk):
            pltpu.make_async_copy(
                rows[b], out_hbm.at[pl.ds(base + chunk * CH, CH)], ssem[b]
            ).start()

        def store_wait(b):
            pltpu.make_async_copy(
                rows[b], out_hbm.at[pl.ds(0, CH)], ssem[b]
            ).wait()

        ngroups = nchunks // NBUF

        def step(gbase, b, first, last):
            gather_wait(b)
            store_start(b, gbase + b)
            bo = (b + OFF) % NBUF
            if not (first and b < OFF):
                store_wait(bo)
            if not (last and b >= OFF):
                gather_start(bo, gbase + b + OFF)

        for b in range(OFF):
            gather_start(b, b)

        for b in range(NBUF):
            step(0, b, first=True, last=False)

        def group(gbase, _):
            for b in range(NBUF):
                step(gbase, b, first=False, last=False)
            return 0

        lax.fori_loop(1, ngroups - 1,
                      lambda g, c: group(g * NBUF, c), 0)

        for b in range(NBUF):
            step(nchunks - NBUF, b, first=False, last=True)
        for b in range(OFF):
            store_wait((NBUF - OFF + b) % NBUF)

    return body(flat_ids, table)


def kernel(input_ids, embed_weight):
    batch, num_codebooks = input_ids.shape
    table_rows, hidden = embed_weight.shape
    vocab_size = table_rows // num_codebooks
    flat_ids = input_ids.reshape(-1).astype(jnp.int32)
    out = _sc_embedding_gather(
        flat_ids, embed_weight,
        num_codebooks=num_codebooks, vocab_size=vocab_size,
    )
    return out.reshape(batch, num_codebooks, hidden)

# --- scband reference (transcript-rebuilt; emitter-appended) ---
"""Pipeline reference for scband-csm-backbone-model-embeddings-5918464934440 (READ-ONLY COPY).

The authoritative reference and input builder live on the scoring server;
editing this copy changes nothing except your own understanding.
"""

import jax, jax.numpy as jnp
import numpy as np

NUM_CODEBOOKS = 32
VOCAB_SIZE = 2051
HIDDEN_SIZE = 2048
BATCH = 1024


def setup_inputs(seed: int = 0) -> dict:
    key = jax.random.key(seed)
    k_idx, k_w = jax.random.split(key)
    input_ids = jax.random.randint(k_idx, (BATCH, NUM_CODEBOOKS), 0, VOCAB_SIZE)
    embed_weight = jax.random.normal(
        k_w, (NUM_CODEBOOKS * VOCAB_SIZE, HIDDEN_SIZE), dtype=jnp.float32
    ) * 0.02
    return {"input_ids": input_ids, "embed_weight": embed_weight}


def reference(input_ids, embed_weight):
    # audio_tokens_offsets buffer: arange(num_codebooks) * vocab_size
    offsets = jnp.arange(NUM_CODEBOOKS, dtype=input_ids.dtype) * VOCAB_SIZE
    shifted = input_ids + offsets  # broadcast over last dim [B, num_codebooks]
    # nn.Embedding lookup -> gather rows
    input_embeds = jnp.take(embed_weight, shifted, axis=0)  # [B, num_codebooks, hidden]
    return input_embeds

if __name__ == "__main__":
    import jax
    _d = setup_inputs()
    print(jax.jit(kernel)(*tuple(_d.values())))

</pallas_src>

<mosaic_0001>
#map = affine_map<(d0, d1) -> (0)>
#map1 = affine_map<(d0, d1) -> (0, 0)>
module attributes {stable_mosaic.version = 14 : i64} {
  func.func @body(%arg0: i32, %arg1: i32, %arg2: memref<32768xi32, #tpu.memory_space<hbm>>, %arg3: memref<65632x2048xf32, #tpu.memory_space<hbm>>, %arg4: memref<32768x2048xf32, #tpu.memory_space<hbm>>, %arg5: memref<1024xi32, #tpu.memory_space<vmem>>, %arg6: memref<8x2048xf32, #tpu.memory_space<vmem>>, %arg7: memref<8x2048xf32, #tpu.memory_space<vmem>>, %arg8: memref<8x2048xf32, #tpu.memory_space<vmem>>, %arg9: memref<8x2048xf32, #tpu.memory_space<vmem>>, %arg10: memref<!tpu.dma_semaphore, #tpu.memory_space<semaphore_mem>>, %arg11: memref<!tpu.dma_semaphore, #tpu.memory_space<semaphore_mem>>, %arg12: memref<!tpu.dma_semaphore, #tpu.memory_space<semaphore_mem>>, %arg13: memref<!tpu.dma_semaphore, #tpu.memory_space<semaphore_mem>>, %arg14: memref<!tpu.dma_semaphore, #tpu.memory_space<semaphore_mem>>, %arg15: memref<!tpu.dma_semaphore, #tpu.memory_space<semaphore_mem>>, %arg16: memref<!tpu.dma_semaphore, #tpu.memory_space<semaphore_mem>>, %arg17: memref<!tpu.dma_semaphore, #tpu.memory_space<semaphore_mem>>) attributes {dimension_semantics = [#tpu.dimension_semantics<core_parallel>, #tpu.dimension_semantics<subcore_parallel>], iteration_bounds = array<i64: 2, 16>, scalar_prefetch = 0 : i64, scratch_operands = 13 : i64, tpu.core_type = #tpu.core_type<sc_vector_subcore>, window_params = [{transform_indices = #map}, {transform_indices = #map1}, {transform_indices = #map1}]} {
    %mul3A = arith.constant 2 : i32
    %mul3A_0 = arith.muli %arg1, %mul3A : i32
    %add3A = arith.addi %mul3A_0, %arg0 : i32
    %mul3A_1 = arith.constant 1024 : i32
    %mul3A_2 = arith.muli %add3A, %mul3A_1 : i32
    "tpu.region"() ({
      %run_scoped3A = tpu.sem_alloc : memref<!tpu.dma_semaphore, #tpu.memory_space<semaphore_mem>>
      %dma_start3A_198 = tpu.memref_slice %arg2[%mul3A_2] : memref<32768xi32, #tpu.memory_space<hbm>> -> memref<1024xi32, #tpu.memory_space<hbm>>
      %dma_start3A_199 = tpu.memref_slice %arg2[%mul3A_2] : memref<32768xi32, #tpu.memory_space<hbm>> -> memref<1024xi32, #tpu.memory_space<hbm>>
      tpu.enqueue_dma source(%dma_start3A_199 : memref<1024xi32, #tpu.memory_space<hbm>>) target(%arg5 : memref<1024xi32, #tpu.memory_space<vmem>>) target_semaphore(%run_scoped3A : memref<!tpu.dma_semaphore, #tpu.memory_space<semaphore_mem>>)
      %dma_wait3A_200 = tpu.memref_slice %arg2[%mul3A_2] : memref<32768xi32, #tpu.memory_space<hbm>> -> memref<1024xi32, #tpu.memory_space<hbm>>
      %dma_wait3A_201 = tpu.memref_slice %arg2[%mul3A_2] : memref<32768xi32, #tpu.memory_space<hbm>> -> memref<1024xi32, #tpu.memory_space<hbm>>
      tpu.wait_dma2 semaphore(%run_scoped3A : memref<!tpu.dma_semaphore, #tpu.memory_space<semaphore_mem>>) src(%dma_wait3A_201 : memref<1024xi32, #tpu.memory_space<hbm>>) dst(%arg5 : memref<1024xi32, #tpu.memory_space<vmem>>)
      tpu.yield
    }) : () -> ()
    %iota3A = tpu.iota {dimensions = array<i32: 0>} : vector<16xi32>
    %scan3A = arith.constant 0 : i32
    %scan3A_3 = arith.constant 0 : i32
    %scan3A_4 = arith.constant 64 : i32
    %scan3A_5 = arith.addi %scan3A_3, %scan3A_4 : i32
    %scan3A_6 = arith.constant 4 : i32
    %scan3A_7 = scf.for %scan3A_198 = %scan3A_3 to %scan3A_5 step %scan3A_6 iter_args(%scan3A_199 = %scan3A) -> (i32)  : i32 {
      %mul3A_200 = arith.constant 16 : i32
      %mul3A_201 = arith.muli %scan3A_198, %mul3A_200 : i32
      %add3A_202 = arith.addi %mul3A_2, %mul3A_201 : i32
      %add3A_203 = vector.broadcast %add3A_202 : i32 to vector<16xi32>
      %add3A_204 = arith.addi %add3A_203, %iota3A : vector<16xi32>
      %rem3A = arith.constant 32 : i32
      %rem3A_205 = vector.broadcast %rem3A : i32 to vector<16xi32>
      %rem3A_206 = arith.remsi %add3A_204, %rem3A_205 : vector<16xi32>
      %mul3A_207 = arith.constant 16 : i32
      %mul3A_208 = arith.muli %scan3A_198, %mul3A_207 : i32
      %get3A = arith.index_cast %mul3A_208 : i32 to index
      %get3A_209 = tpu.vector_load %arg5[%get3A] {strides = array<i32>} : memref<1024xi32, #tpu.memory_space<vmem>>, vector<16xi32>,
      %get3A_210 = vector.shape_cast %get3A_209 : vector<16xi32> to vector<16xi32>
      %mul3A_211 = arith.constant 2051 : i32
      %mul3A_212 = vector.broadcast %mul3A_211 : i32 to vector<16xi32>
      %mul3A_213 = arith.muli %rem3A_206, %mul3A_212 : vector<16xi32>
      %add3A_214 = arith.addi %get3A_210, %mul3A_213 : vector<16xi32>
      %swap3A = arith.index_cast %mul3A_208 : i32 to index
      %swap3A_215 = tpu.vector_load %arg5[%swap3A] {strides = array<i32>} : memref<1024xi32, #tpu.memory_space<vmem>>, vector<16xi32>,
      %swap3A_216 = vector.shape_cast %swap3A_215 : vector<16xi32> to vector<16xi32>
      %swap3A_217 = vector.shape_cast %add3A_214 : vector<16xi32> to vector<16xi32>
      tpu.vector_store %arg5[%swap3A], %swap3A_217 {strides = array<i32>} : memref<1024xi32, #tpu.memory_space<vmem>>, vector<16xi32>,
      %scan3A_218 = arith.constant 0 : i32
      %scan3A_219 = arith.constant 1 : i32
      %scan3A_220 = arith.addi %scan3A_198, %scan3A_219 : i32
      %mul3A_221 = arith.constant 16 : i32
      %mul3A_222 = arith.muli %scan3A_220, %mul3A_221 : i32
      %add3A_223 = arith.addi %mul3A_2, %mul3A_222 : i32
      %add3A_224 = vector.broadcast %add3A_223 : i32 to vector<16xi32>
      %add3A_225 = arith.addi %add3A_224, %iota3A : vector<16xi32>
      %rem3A_226 = arith.constant 32 : i32
      %rem3A_227 = vector.broadcast %rem3A_226 : i32 to vector<16xi32>
      %rem3A_228 = arith.remsi %add3A_225, %rem3A_227 : vector<16xi32>
      %mul3A_229 = arith.constant 16 : i32
      %mul3A_230 = arith.muli %scan3A_220, %mul3A_229 : i32
      %get3A_231 = arith.index_cast %mul3A_230 : i32 to index
      %get3A_232 = tpu.vector_load %arg5[%get3A_231] {strides = array<i32>} : memref<1024xi32, #tpu.memory_space<vmem>>, vector<16xi32>,
      %get3A_233 = vector.shape_cast %get3A_232 : vector<16xi32> to vector<16xi32>
      %mul3A_234 = arith.constant 2051 : i32
      %mul3A_235 = vector.broadcast %mul3A_234 : i32 to vector<16xi32>
      %mul3A_236 = arith.muli %rem3A_228, %mul3A_235 : vector<16xi32>
      %add3A_237 = arith.addi %get3A_233, %mul3A_236 : vector<16xi32>
      %swap3A_238 = arith.index_cast %mul3A_230 : i32 to index
      %swap3A_239 = tpu.vector_load %arg5[%swap3A_238] {strides = array<i32>} : memref<1024xi32, #tpu.memory_space<vmem>>, vector<16xi32>,
      %swap3A_240 = vector.shape_cast %swap3A_239 : vector<16xi32> to vector<16xi32>
      %swap3A_241 = vector.shape_cast %add3A_237 : vector<16xi32> to vector<16xi32>
      tpu.vector_store %arg5[%swap3A_238], %swap3A_241 {strides = array<i32>} : memref<1024xi32, #tpu.memory_space<vmem>>, vector<16xi32>,
      %scan3A_242 = arith.constant 0 : i32
      %scan3A_243 = arith.constant 2 : i32
      %scan3A_244 = arith.addi %scan3A_198, %scan3A_243 : i32
      %mul3A_245 = arith.constant 16 : i32
      %mul3A_246 = arith.muli %scan3A_244, %mul3A_245 : i32
      %add3A_247 = arith.addi %mul3A_2, %mul3A_246 : i32
      %add3A_248 = vector.broadcast %add3A_247 : i32 to vector<16xi32>
      %add3A_249 = arith.addi %add3A_248, %iota3A : vector<16xi32>
      %rem3A_250 = arith.constant 32 : i32
      %rem3A_251 = vector.broadcast %rem3A_250 : i32 to vector<16xi32>
      %rem3A_252 = arith.remsi %add3A_249, %rem3A_251 : vector<16xi32>
      %mul3A_253 = arith.constant 16 : i32
      %mul3A_254 = arith.muli %scan3A_244, %mul3A_253 : i32
      %get3A_255 = arith.index_cast %mul3A_254 : i32 to index
      %get3A_256 = tpu.vector_load %arg5[%get3A_255] {strides = array<i32>} : memref<1024xi32, #tpu.memory_space<vmem>>, vector<16xi32>,
      %get3A_257 = vector.shape_cast %get3A_256 : vector<16xi32> to vector<16xi32>
      %mul3A_258 = arith.constant 2051 : i32
      %mul3A_259 = vector.broadcast %mul3A_258 : i32 to vector<16xi32>
      %mul3A_260 = arith.muli %rem3A_252, %mul3A_259 : vector<16xi32>
      %add3A_261 = arith.addi %get3A_257, %mul3A_260 : vector<16xi32>
      %swap3A_262 = arith.index_cast %mul3A_254 : i32 to index
      %swap3A_263 = tpu.vector_load %arg5[%swap3A_262] {strides = array<i32>} : memref<1024xi32, #tpu.memory_space<vmem>>, vector<16xi32>,
      %swap3A_264 = vector.shape_cast %swap3A_263 : vector<16xi32> to vector<16xi32>
      %swap3A_265 = vector.shape_cast %add3A_261 : vector<16xi32> to vector<16xi32>
      tpu.vector_store %arg5[%swap3A_262], %swap3A_265 {strides = array<i32>} : memref<1024xi32, #tpu.memory_space<vmem>>, vector<16xi32>,
      %scan3A_266 = arith.constant 0 : i32
      %scan3A_267 = arith.constant 3 : i32
      %scan3A_268 = arith.addi %scan3A_198, %scan3A_267 : i32
      %mul3A_269 = arith.constant 16 : i32
      %mul3A_270 = arith.muli %scan3A_268, %mul3A_269 : i32
      %add3A_271 = arith.addi %mul3A_2, %mul3A_270 : i32
      %add3A_272 = vector.broadcast %add3A_271 : i32 to vector<16xi32>
      %add3A_273 = arith.addi %add3A_272, %iota3A : vector<16xi32>
      %rem3A_274 = arith.constant 32 : i32
      %rem3A_275 = vector.broadcast %rem3A_274 : i32 to vector<16xi32>
      %rem3A_276 = arith.remsi %add3A_273, %rem3A_275 : vector<16xi32>
      %mul3A_277 = arith.constant 16 : i32
      %mul3A_278 = arith.muli %scan3A_268, %mul3A_277 : i32
      %get3A_279 = arith.index_cast %mul3A_278 : i32 to index
      %get3A_280 = tpu.vector_load %arg5[%get3A_279] {strides = array<i32>} : memref<1024xi32, #tpu.memory_space<vmem>>, vector<16xi32>,
      %get3A_281 = vector.shape_cast %get3A_280 : vector<16xi32> to vector<16xi32>
      %mul3A_282 = arith.constant 2051 : i32
      %mul3A_283 = vector.broadcast %mul3A_282 : i32 to vector<16xi32>
      %mul3A_284 = arith.muli %rem3A_276, %mul3A_283 : vector<16xi32>
      %add3A_285 = arith.addi %get3A_281, %mul3A_284 : vector<16xi32>
      %swap3A_286 = arith.index_cast %mul3A_278 : i32 to index
      %swap3A_287 = tpu.vector_load %arg5[%swap3A_286] {strides = array<i32>} : memref<1024xi32, #tpu.memory_space<vmem>>, vector<16xi32>,
      %swap3A_288 = vector.shape_cast %swap3A_287 : vector<16xi32> to vector<16xi32>
      %swap3A_289 = vector.shape_cast %add3A_285 : vector<16xi32> to vector<16xi32>
      tpu.vector_store %arg5[%swap3A_286], %swap3A_289 {strides = array<i32>} : memref<1024xi32, #tpu.memory_space<vmem>>, vector<16xi32>,
      %scan3A_290 = arith.constant 0 : i32
      scf.yield %scan3A_290 : i32
    }
    %scan3A_8 = arith.constant 64 : i32
    %dma_start3A = arith.constant 0 : i32
    %dma_start3A_9 = tpu.memref_slice %arg5[%dma_start3A] : memref<1024xi32, #tpu.memory_space<vmem>> -> memref<8xi32, #tpu.memory_space<vmem>>
    %dma_start3A_10 = arith.constant 0 : i32
    %dma_start3A_11 = arith.constant 0 : i32
    %dma_start3A_12 = tpu.memref_slice %arg3[%dma_start3A_10, %dma_start3A_11] : memref<65632x2048xf32, #tpu.memory_space<hbm>> -> memref<65632x2048xf32, #tpu.memory_space<hbm>>
    tpu.enqueue_indirect_dma source(%dma_start3A_12 : memref<65632x2048xf32, #tpu.memory_space<hbm>>) target(%arg6 : memref<8x2048xf32, #tpu.memory_space<vmem>>) offsets(%dma_start3A_9 : memref<8xi32, #tpu.memory_space<vmem>>) semaphore(%arg10 : memref<!tpu.dma_semaphore, #tpu.memory_space<semaphore_mem>>)
    %dma_start3A_13 = arith.constant 8 : i32
    %dma_start3A_14 = tpu.memref_slice %arg5[%dma_start3A_13] : memref<1024xi32, #tpu.memory_space<vmem>> -> memref<8xi32, #tpu.memory_space<vmem>>
    %dma_start3A_15 = arith.constant 0 : i32
    %dma_start3A_16 = arith.constant 0 : i32
    %dma_start3A_17 = tpu.memref_slice %arg3[%dma_start3A_15, %dma_start3A_16] : memref<65632x2048xf32, #tpu.memory_space<hbm>> -> memref<65632x2048xf32, #tpu.memory_space<hbm>>
    tpu.enqueue_indirect_dma source(%dma_start3A_17 : memref<65632x2048xf32, #tpu.memory_space<hbm>>) target(%arg7 : memref<8x2048xf32, #tpu.memory_space<vmem>>) offsets(%dma_start3A_14 : memref<8xi32, #tpu.memory_space<vmem>>) semaphore(%arg11 : memref<!tpu.dma_semaphore, #tpu.memory_space<semaphore_mem>>)
    %dma_wait3A = arith.constant 0 : i32
    %dma_wait3A_18 = arith.constant 0 : i32
    %dma_wait3A_19 = tpu.memref_slice %arg3[%dma_wait3A, %dma_wait3A_18] : memref<65632x2048xf32, #tpu.memory_space<hbm>> -> memref<8x2048xf32, #tpu.memory_space<hbm>>
    %dma_wait3A_20 = arith.constant 0 : i32
    %dma_wait3A_21 = arith.constant 0 : i32
    %dma_wait3A_22 = tpu.memref_slice %arg3[%dma_wait3A_20, %dma_wait3A_21] : memref<65632x2048xf32, #tpu.memory_space<hbm>> -> memref<8x2048xf32, #tpu.memory_space<hbm>>
    tpu.wait_dma2 semaphore(%arg10 : memref<!tpu.dma_semaphore, #tpu.memory_space<semaphore_mem>>) src(%dma_wait3A_22 : memref<8x2048xf32, #tpu.memory_space<hbm>>) dst(%arg6 : memref<8x2048xf32, #tpu.memory_space<vmem>>)
    %add3A_23 = arith.constant 0 : i32
    %add3A_24 = arith.addi %mul3A_2, %add3A_23 : i32
    %dma_start3A_25 = arith.constant 0 : i32
    %dma_start3A_26 = tpu.memref_slice %arg4[%add3A_24, %dma_start3A_25] : memref<32768x2048xf32, #tpu.memory_space<hbm>> -> memref<8x2048xf32, #tpu.memory_space<hbm>>
    %dma_start3A_27 = arith.constant 0 : i32
    %dma_start3A_28 = tpu.memref_slice %arg4[%add3A_24, %dma_start3A_27] : memref<32768x2048xf32, #tpu.memory_space<hbm>> -> memref<8x2048xf32, #tpu.memory_space<hbm>>
    tpu.enqueue_dma source(%arg6 : memref<8x2048xf32, #tpu.memory_space<vmem>>) target(%dma_start3A_28 : memref<8x2048xf32, #tpu.memory_space<hbm>>) target_semaphore(%arg14 : memref<!tpu.dma_semaphore, #tpu.memory_space<semaphore_mem>>)
    %dma_start3A_29 = arith.constant 16 : i32
    %dma_start3A_30 = tpu.memref_slice %arg5[%dma_start3A_29] : memref<1024xi32, #tpu.memory_space<vmem>> -> memref<8xi32, #tpu.memory_space<vmem>>
    %dma_start3A_31 = arith.constant 0 : i32
    %dma_start3A_32 = arith.constant 0 : i32
    %dma_start3A_33 = tpu.memref_slice %arg3[%dma_start3A_31, %dma_start3A_32] : memref<65632x2048xf32, #tpu.memory_space<hbm>> -> memref<65632x2048xf32, #tpu.memory_space<hbm>>
    tpu.enqueue_indirect_dma source(%dma_start3A_33 : memref<65632x2048xf32, #tpu.memory_space<hbm>>) target(%arg8 : memref<8x2048xf32, #tpu.memory_space<vmem>>) offsets(%dma_start3A_30 : memref<8xi32, #tpu.memory_space<vmem>>) semaphore(%arg12 : memref<!tpu.dma_semaphore, #tpu.memory_space<semaphore_mem>>)
    %dma_wait3A_34 = arith.constant 0 : i32
    %dma_wait3A_35 = arith.constant 0 : i32
    %dma_wait3A_36 = tpu.memref_slice %arg3[%dma_wait3A_34, %dma_wait3A_35] : memref<65632x2048xf32, #tpu.memory_space<hbm>> -> memref<8x2048xf32, #tpu.memory_space<hbm>>
    %dma_wait3A_37 = arith.constant 0 : i32
    %dma_wait3A_38 = arith.constant 0 : i32
    %dma_wait3A_39 = tpu.memref_slice %arg3[%dma_wait3A_37, %dma_wait3A_38] : memref<65632x2048xf32, #tpu.memory_space<hbm>> -> memref<8x2048xf32, #tpu.memory_space<hbm>>
    tpu.wait_dma2 semaphore(%arg11 : memref<!tpu.dma_semaphore, #tpu.memory_space<semaphore_mem>>) src(%dma_wait3A_39 : memref<8x2048xf32, #tpu.memory_space<hbm>>) dst(%arg7 : memref<8x2048xf32, #tpu.memory_space<vmem>>)
    %add3A_40 = arith.constant 8 : i32
    %add3A_41 = arith.addi %mul3A_2, %add3A_40 : i32
    %dma_start3A_42 = arith.constant 0 : i32
    %dma_start3A_43 = tpu.memref_slice %arg4[%add3A_41, %dma_start3A_42] : memref<32768x2048xf32, #tpu.memory_space<hbm>> -> memref<8x2048xf32, #tpu.memory_space<hbm>>
    %dma_start3A_44 = arith.constant 0 : i32
    %dma_start3A_45 = tpu.memref_slice %arg4[%add3A_41, %dma_start3A_44] : memref<32768x2048xf32, #tpu.memory_space<hbm>> -> memref<8x2048xf32, #tpu.memory_space<hbm>>
    tpu.enqueue_dma source(%arg7 : memref<8x2048xf32, #tpu.memory_space<vmem>>) target(%dma_start3A_45 : memref<8x2048xf32, #tpu.memory_space<hbm>>) target_semaphore(%arg15 : memref<!tpu.dma_semaphore, #tpu.memory_space<semaphore_mem>>)
    %dma_start3A_46 = arith.constant 24 : i32
    %dma_start3A_47 = tpu.memref_slice %arg5[%dma_start3A_46] : memref<1024xi32, #tpu.memory_space<vmem>> -> memref<8xi32, #tpu.memory_space<vmem>>
    %dma_start3A_48 = arith.constant 0 : i32
    %dma_start3A_49 = arith.constant 0 : i32
    %dma_start3A_50 = tpu.memref_slice %arg3[%dma_start3A_48, %dma_start3A_49] : memref<65632x2048xf32, #tpu.memory_space<hbm>> -> memref<65632x2048xf32, #tpu.memory_space<hbm>>
    tpu.enqueue_indirect_dma source(%dma_start3A_50 : memref<65632x2048xf32, #tpu.memory_space<hbm>>) target(%arg9 : memref<8x2048xf32, #tpu.memory_space<vmem>>) offsets(%dma_start3A_47 : memref<8xi32, #tpu.memory_space<vmem>>) semaphore(%arg13 : memref<!tpu.dma_semaphore, #tpu.memory_space<semaphore_mem>>)
    %dma_wait3A_51 = arith.constant 0 : i32
    %dma_wait3A_52 = arith.constant 0 : i32
    %dma_wait3A_53 = tpu.memref_slice %arg3[%dma_wait3A_51, %dma_wait3A_52] : memref<65632x2048xf32, #tpu.memory_space<hbm>> -> memref<8x2048xf32, #tpu.memory_space<hbm>>
    %dma_wait3A_54 = arith.constant 0 : i32
    %dma_wait3A_55 = arith.constant 0 : i32
    %dma_wait3A_56 = tpu.memref_slice %arg3[%dma_wait3A_54, %dma_wait3A_55] : memref<65632x2048xf32, #tpu.memory_space<hbm>> -> memref<8x2048xf32, #tpu.memory_space<hbm>>
    tpu.wait_dma2 semaphore(%arg12 : memref<!tpu.dma_semaphore, #tpu.memory_space<semaphore_mem>>) src(%dma_wait3A_56 : memref<8x2048xf32, #tpu.memory_space<hbm>>) dst(%arg8 : memref<8x2048xf32, #tpu.memory_space<vmem>>)
    %add3A_57 = arith.constant 16 : i32
    %add3A_58 = arith.addi %mul3A_2, %add3A_57 : i32
    %dma_start3A_59 = arith.constant 0 : i32
    %dma_start3A_60 = tpu.memref_slice %arg4[%add3A_58, %dma_start3A_59] : memref<32768x2048xf32, #tpu.memory_space<hbm>> -> memref<8x2048xf32, #tpu.memory_space<hbm>>
    %dma_start3A_61 = arith.constant 0 : i32
    %dma_start3A_62 = tpu.memref_slice %arg4[%add3A_58, %dma_start3A_61] : memref<32768x2048xf32, #tpu.memory_space<hbm>> -> memref<8x2048xf32, #tpu.memory_space<hbm>>
    tpu.enqueue_dma source(%arg8 : memref<8x2048xf32, #tpu.memory_space<vmem>>) target(%dma_start3A_62 : memref<8x2048xf32, #tpu.memory_space<hbm>>) target_semaphore(%arg16 : memref<!tpu.dma_semaphore, #tpu.memory_space<semaphore_mem>>)
    %dma_wait3A_63 = arith.constant 0 : i32
    %dma_wait3A_64 = arith.constant 0 : i32
    %dma_wait3A_65 = tpu.memref_slice %arg4[%dma_wait3A_63, %dma_wait3A_64] : memref<32768x2048xf32, #tpu.memory_space<hbm>> -> memref<8x2048xf32, #tpu.memory_space<hbm>>
    %dma_wait3A_66 = arith.constant 0 : i32
    %dma_wait3A_67 = arith.constant 0 : i32
    %dma_wait3A_68 = tpu.memref_slice %arg4[%dma_wait3A_66, %dma_wait3A_67] : memref<32768x2048xf32, #tpu.memory_space<hbm>> -> memref<8x2048xf32, #tpu.memory_space<hbm>>
    tpu.wait_dma2 semaphore(%arg14 : memref<!tpu.dma_semaphore, #tpu.memory_space<semaphore_mem>>) src(%arg6 : memref<8x2048xf32, #tpu.memory_space<vmem>>) dst(%dma_wait3A_68 : memref<8x2048xf32, #tpu.memory_space<hbm>>)
    %dma_start3A_69 = arith.constant 32 : i32
    %dma_start3A_70 = tpu.memref_slice %arg5[%dma_start3A_69] : memref<1024xi32, #tpu.memory_space<vmem>> -> memref<8xi32, #tpu.memory_space<vmem>>
    %dma_start3A_71 = arith.constant 0 : i32
    %dma_start3A_72 = arith.constant 0 : i32
    %dma_start3A_73 = tpu.memref_slice %arg3[%dma_start3A_71, %dma_start3A_72] : memref<65632x2048xf32, #tpu.memory_space<hbm>> -> memref<65632x2048xf32, #tpu.memory_space<hbm>>
    tpu.enqueue_indirect_dma source(%dma_start3A_73 : memref<65632x2048xf32, #tpu.memory_space<hbm>>) target(%arg6 : memref<8x2048xf32, #tpu.memory_space<vmem>>) offsets(%dma_start3A_70 : memref<8xi32, #tpu.memory_space<vmem>>) semaphore(%arg10 : memref<!tpu.dma_semaphore, #tpu.memory_space<semaphore_mem>>)
    %dma_wait3A_74 = arith.constant 0 : i32
    %dma_wait3A_75 = arith.constant 0 : i32
    %dma_wait3A_76 = tpu.memref_slice %arg3[%dma_wait3A_74, %dma_wait3A_75] : memref<65632x2048xf32, #tpu.memory_space<hbm>> -> memref<8x2048xf32, #tpu.memory_space<hbm>>
    %dma_wait3A_77 = arith.constant 0 : i32
    %dma_wait3A_78 = arith.constant 0 : i32
    %dma_wait3A_79 = tpu.memref_slice %arg3[%dma_wait3A_77, %dma_wait3A_78] : memref<65632x2048xf32, #tpu.memory_space<hbm>> -> memref<8x2048xf32, #tpu.memory_space<hbm>>
    tpu.wait_dma2 semaphore(%arg13 : memref<!tpu.dma_semaphore, #tpu.memory_space<semaphore_mem>>) src(%dma_wait3A_79 : memref<8x2048xf32, #tpu.memory_space<hbm>>) dst(%arg9 : memref<8x2048xf32, #tpu.memory_space<vmem>>)
    %add3A_80 = arith.constant 24 : i32
    %add3A_81 = arith.addi %mul3A_2, %add3A_80 : i32
    %dma_start3A_82 = arith.constant 0 : i32
    %dma_start3A_83 = tpu.memref_slice %arg4[%add3A_81, %dma_start3A_82] : memref<32768x2048xf32, #tpu.memory_space<hbm>> -> memref<8x2048xf32, #tpu.memory_space<hbm>>
    %dma_start3A_84 = arith.constant 0 : i32
    %dma_start3A_85 = tpu.memref_slice %arg4[%add3A_81, %dma_start3A_84] : memref<32768x2048xf32, #tpu.memory_space<hbm>> -> memref<8x2048xf32, #tpu.memory_space<hbm>>
    tpu.enqueue_dma source(%arg9 : memref<8x2048xf32, #tpu.memory_space<vmem>>) target(%dma_start3A_85 : memref<8x2048xf32, #tpu.memory_space<hbm>>) target_semaphore(%arg17 : memref<!tpu.dma_semaphore, #tpu.memory_space<semaphore_mem>>)
    %dma_wait3A_86 = arith.constant 0 : i32
    %dma_wait3A_87 = arith.constant 0 : i32
    %dma_wait3A_88 = tpu.memref_slice %arg4[%dma_wait3A_86, %dma_wait3A_87] : memref<32768x2048xf32, #tpu.memory_space<hbm>> -> memref<8x2048xf32, #tpu.memory_space<hbm>>
    %dma_wait3A_89 = arith.constant 0 : i32
    %dma_wait3A_90 = arith.constant 0 : i32
    %dma_wait3A_91 = tpu.memref_slice %arg4[%dma_wait3A_89, %dma_wait3A_90] : memref<32768x2048xf32, #tpu.memory_space<hbm>> -> memref<8x2048xf32, #tpu.memory_space<hbm>>
    tpu.wait_dma2 semaphore(%arg15 : memref<!tpu.dma_semaphore, #tpu.memory_space<semaphore_mem>>) src(%arg7 : memref<8x2048xf32, #tpu.memory_space<vmem>>) dst(%dma_wait3A_91 : memref<8x2048xf32, #tpu.memory_space<hbm>>)
    %dma_start3A_92 = arith.constant 40 : i32
    %dma_start3A_93 = tpu.memref_slice %arg5[%dma_start3A_92] : memref<1024xi32, #tpu.memory_space<vmem>> -> memref<8xi32, #tpu.memory_space<vmem>>
    %dma_start3A_94 = arith.constant 0 : i32
    %dma_start3A_95 = arith.constant 0 : i32
    %dma_start3A_96 = tpu.memref_slice %arg3[%dma_start3A_94, %dma_start3A_95] : memref<65632x2048xf32, #tpu.memory_space<hbm>> -> memref<65632x2048xf32, #tpu.memory_space<hbm>>
    tpu.enqueue_indirect_dma source(%dma_start3A_96 : memref<65632x2048xf32, #tpu.memory_space<hbm>>) target(%arg7 : memref<8x2048xf32, #tpu.memory_space<vmem>>) offsets(%dma_start3A_93 : memref<8xi32, #tpu.memory_space<vmem>>) semaphore(%arg11 : memref<!tpu.dma_semaphore, #tpu.memory_space<semaphore_mem>>)
    %scan3A_97 = arith.constant 0 : i32
    %scan3A_98 = arith.constant 1 : i32
    %scan3A_99 = arith.constant 30 : i32
    %scan3A_100 = arith.addi %scan3A_98, %scan3A_99 : i32
    %scan3A_101 = arith.constant 1 : i32
    %scan3A_102 = scf.for %scan3A_198 = %scan3A_98 to %scan3A_100 step %scan3A_101 iter_args(%scan3A_199 = %scan3A_97) -> (i32)  : i32 {
      %mul3A_200 = arith.constant 4 : i32
      %mul3A_201 = arith.muli %scan3A_198, %mul3A_200 : i32
      %dma_wait3A_202 = arith.constant 0 : i32
      %dma_wait3A_203 = arith.constant 0 : i32
      %dma_wait3A_204 = tpu.memref_slice %arg3[%dma_wait3A_202, %dma_wait3A_203] : memref<65632x2048xf32, #tpu.memory_space<hbm>> -> memref<8x2048xf32, #tpu.memory_space<hbm>>
      %dma_wait3A_205 = arith.constant 0 : i32
      %dma_wait3A_206 = arith.constant 0 : i32
      %dma_wait3A_207 = tpu.memref_slice %arg3[%dma_wait3A_205, %dma_wait3A_206] : memref<65632x2048xf32, #tpu.memory_space<hbm>> -> memref<8x2048xf32, #tpu.memory_space<hbm>>
      tpu.wait_dma2 semaphore(%arg10 : memref<!tpu.dma_semaphore, #tpu.memory_space<semaphore_mem>>) src(%dma_wait3A_207 : memref<8x2048xf32, #tpu.memory_space<hbm>>) dst(%arg6 : memref<8x2048xf32, #tpu.memory_space<vmem>>)
      %add3A_208 = arith.constant 0 : i32
      %add3A_209 = arith.addi %mul3A_201, %add3A_208 : i32
      %mul3A_210 = arith.constant 8 : i32
      %mul3A_211 = arith.muli %add3A_209, %mul3A_210 : i32
      %add3A_212 = arith.addi %mul3A_2, %mul3A_211 : i32
      %dma_start3A_213 = arith.constant 0 : i32
      %dma_start3A_214 = tpu.memref_slice %arg4[%add3A_212, %dma_start3A_213] : memref<32768x2048xf32, #tpu.memory_space<hbm>> -> memref<8x2048xf32, #tpu.memory_space<hbm>>
      %dma_start3A_215 = arith.constant 0 : i32
      %dma_start3A_216 = tpu.memref_slice %arg4[%add3A_212, %dma_start3A_215] : memref<32768x2048xf32, #tpu.memory_space<hbm>> -> memref<8x2048xf32, #tpu.memory_space<hbm>>
      tpu.enqueue_dma source(%arg6 : memref<8x2048xf32, #tpu.memory_space<vmem>>) target(%dma_start3A_216 : memref<8x2048xf32, #tpu.memory_space<hbm>>) target_semaphore(%arg14 : memref<!tpu.dma_semaphore, #tpu.memory_space<semaphore_mem>>)
      %dma_wait3A_217 = arith.constant 0 : i32
      %dma_wait3A_218 = arith.constant 0 : i32
      %dma_wait3A_219 = tpu.memref_slice %arg4[%dma_wait3A_217, %dma_wait3A_218] : memref<32768x2048xf32, #tpu.memory_space<hbm>> -> memref<8x2048xf32, #tpu.memory_space<hbm>>
      %dma_wait3A_220 = arith.constant 0 : i32
      %dma_wait3A_221 = arith.constant 0 : i32
      %dma_wait3A_222 = tpu.memref_slice %arg4[%dma_wait3A_220, %dma_wait3A_221] : memref<32768x2048xf32, #tpu.memory_space<hbm>> -> memref<8x2048xf32, #tpu.memory_space<hbm>>
      tpu.wait_dma2 semaphore(%arg16 : memref<!tpu.dma_semaphore, #tpu.memory_space<semaphore_mem>>) src(%arg8 : memref<8x2048xf32, #tpu.memory_space<vmem>>) dst(%dma_wait3A_222 : memref<8x2048xf32, #tpu.memory_space<hbm>>)
      %add3A_223 = arith.constant 0 : i32
      %add3A_224 = arith.addi %mul3A_201, %add3A_223 : i32
      %add3A_225 = arith.constant 2 : i32
      %add3A_226 = arith.addi %add3A_224, %add3A_225 : i32
      %mul3A_227 = arith.constant 8 : i32
      %mul3A_228 = arith.muli %add3A_226, %mul3A_227 : i32
      %dma_start3A_229 = tpu.memref_slice %arg5[%mul3A_228] : memref<1024xi32, #tpu.memory_space<vmem>> -> memref<8xi32, #tpu.memory_space<vmem>>
      %dma_start3A_230 = arith.constant 0 : i32
      %dma_start3A_231 = arith.constant 0 : i32
      %dma_start3A_232 = tpu.memref_slice %arg3[%dma_start3A_230, %dma_start3A_231] : memref<65632x2048xf32, #tpu.memory_space<hbm>> -> memref<65632x2048xf32, #tpu.memory_space<hbm>>
      tpu.enqueue_indirect_dma source(%dma_start3A_232 : memref<65632x2048xf32, #tpu.memory_space<hbm>>) target(%arg8 : memref<8x2048xf32, #tpu.memory_space<vmem>>) offsets(%dma_start3A_229 : memref<8xi32, #tpu.memory_space<vmem>>) semaphore(%arg12 : memref<!tpu.dma_semaphore, #tpu.memory_space<semaphore_mem>>)
      %dma_wait3A_233 = arith.constant 0 : i32
      %dma_wait3A_234 = arith.constant 0 : i32
      %dma_wait3A_235 = tpu.memref_slice %arg3[%dma_wait3A_233, %dma_wait3A_234] : memref<65632x2048xf32, #tpu.memory_space<hbm>> -> memref<8x2048xf32, #tpu.memory_space<hbm>>
      %dma_wait3A_236 = arith.constant 0 : i32
      %dma_wait3A_237 = arith.constant 0 : i32
      %dma_wait3A_238 = tpu.memref_slice %arg3[%dma_wait3A_236, %dma_wait3A_237] : memref<65632x2048xf32, #tpu.memory_space<hbm>> -> memref<8x2048xf32, #tpu.memory_space<hbm>>
      tpu.wait_dma2 semaphore(%arg11 : memref<!tpu.dma_semaphore, #tpu.memory_space<semaphore_mem>>) src(%dma_wait3A_238 : memref<8x2048xf32, #tpu.memory_space<hbm>>) dst(%arg7 : memref<8x2048xf32, #tpu.memory_space<vmem>>)
      %add3A_239 = arith.constant 1 : i32
      %add3A_240 = arith.addi %mul3A_201, %add3A_239 : i32
      %mul3A_241 = arith.constant 8 : i32
      %mul3A_242 = arith.muli %add3A_240, %mul3A_241 : i32
      %add3A_243 = arith.addi %mul3A_2, %mul3A_242 : i32
      %dma_start3A_244 = arith.constant 0 : i32
      %dma_start3A_245 = tpu.memref_slice %arg4[%add3A_243, %dma_start3A_244] : memref<32768x2048xf32, #tpu.memory_space<hbm>> -> memref<8x2048xf32, #tpu.memory_space<hbm>>
      %dma_start3A_246 = arith.constant 0 : i32
      %dma_start3A_247 = tpu.memref_slice %arg4[%add3A_243, %dma_start3A_246] : memref<32768x2048xf32, #tpu.memory_space<hbm>> -> memref<8x2048xf32, #tpu.memory_space<hbm>>
      tpu.enqueue_dma source(%arg7 : memref<8x2048xf32, #tpu.memory_space<vmem>>) target(%dma_start3A_247 : memref<8x2048xf32, #tpu.memory_space<hbm>>) target_semaphore(%arg15 : memref<!tpu.dma_semaphore, #tpu.memory_space<semaphore_mem>>)
      %dma_wait3A_248 = arith.constant 0 : i32
      %dma_wait3A_249 = arith.constant 0 : i32
      %dma_wait3A_250 = tpu.memref_slice %arg4[%dma_wait3A_248, %dma_wait3A_249] : memref<32768x2048xf32, #tpu.memory_space<hbm>> -> memref<8x2048xf32, #tpu.memory_space<hbm>>
      %dma_wait3A_251 = arith.constant 0 : i32
      %dma_wait3A_252 = arith.constant 0 : i32
      %dma_wait3A_253 = tpu.memref_slice %arg4[%dma_wait3A_251, %dma_wait3A_252] : memref<32768x2048xf32, #tpu.memory_space<hbm>> -> memref<8x2048xf32, #tpu.memory_space<hbm>>
      tpu.wait_dma2 semaphore(%arg17 : memref<!tpu.dma_semaphore, #tpu.memory_space<semaphore_mem>>) src(%arg9 : memref<8x2048xf32, #tpu.memory_space<vmem>>) dst(%dma_wait3A_253 : memref<8x2048xf32, #tpu.memory_space<hbm>>)
      %add3A_254 = arith.constant 1 : i32
      %add3A_255 = arith.addi %mul3A_201, %add3A_254 : i32
      %add3A_256 = arith.constant 2 : i32
      %add3A_257 = arith.addi %add3A_255, %add3A_256 : i32
      %mul3A_258 = arith.constant 8 : i32
      %mul3A_259 = arith.muli %add3A_257, %mul3A_258 : i32
      %dma_start3A_260 = tpu.memref_slice %arg5[%mul3A_259] : memref<1024xi32, #tpu.memory_space<vmem>> -> memref<8xi32, #tpu.memory_space<vmem>>
      %dma_start3A_261 = arith.constant 0 : i32
      %dma_start3A_262 = arith.constant 0 : i32
      %dma_start3A_263 = tpu.memref_slice %arg3[%dma_start3A_261, %dma_start3A_262] : memref<65632x2048xf32, #tpu.memory_space<hbm>> -> memref<65632x2048xf32, #tpu.memory_space<hbm>>
      tpu.enqueue_indirect_dma source(%dma_start3A_263 : memref<65632x2048xf32, #tpu.memory_space<hbm>>) target(%arg9 : memref<8x2048xf32, #tpu.memory_space<vmem>>) offsets(%dma_start3A_260 : memref<8xi32, #tpu.memory_space<vmem>>) semaphore(%arg13 : memref<!tpu.dma_semaphore, #tpu.memory_space<semaphore_mem>>)
      %dma_wait3A_264 = arith.constant 0 : i32
      %dma_wait3A_265 = arith.constant 0 : i32
      %dma_wait3A_266 = tpu.memref_slice %arg3[%dma_wait3A_264, %dma_wait3A_265] : memref<65632x2048xf32, #tpu.memory_space<hbm>> -> memref<8x2048xf32, #tpu.memory_space<hbm>>
      %dma_wait3A_267 = arith.constant 0 : i32
      %dma_wait3A_268 = arith.constant 0 : i32
      %dma_wait3A_269 = tpu.memref_slice %arg3[%dma_wait3A_267, %dma_wait3A_268] : memref<65632x2048xf32, #tpu.memory_space<hbm>> -> memref<8x2048xf32, #tpu.memory_space<hbm>>
      tpu.wait_dma2 semaphore(%arg12 : memref<!tpu.dma_semaphore, #tpu.memory_space<semaphore_mem>>) src(%dma_wait3A_269 : memref<8x2048xf32, #tpu.memory_space<hbm>>) dst(%arg8 : memref<8x2048xf32, #tpu.memory_space<vmem>>)
      %add3A_270 = arith.constant 2 : i32
      %add3A_271 = arith.addi %mul3A_201, %add3A_270 : i32
      %mul3A_272 = arith.constant 8 : i32
      %mul3A_273 = arith.muli %add3A_271, %mul3A_272 : i32
      %add3A_274 = arith.addi %mul3A_2, %mul3A_273 : i32
      %dma_start3A_275 = arith.constant 0 : i32
      %dma_start3A_276 = tpu.memref_slice %arg4[%add3A_274, %dma_start3A_275] : memref<32768x2048xf32, #tpu.memory_space<hbm>> -> memref<8x2048xf32, #tpu.memory_space<hbm>>
      %dma_start3A_277 = arith.constant 0 : i32
      %dma_start3A_278 = tpu.memref_slice %arg4[%add3A_274, %dma_start3A_277] : memref<32768x2048xf32, #tpu.memory_space<hbm>> -> memref<8x2048xf32, #tpu.memory_space<hbm>>
      tpu.enqueue_dma source(%arg8 : memref<8x2048xf32, #tpu.memory_space<vmem>>) target(%dma_start3A_278 : memref<8x2048xf32, #tpu.memory_space<hbm>>) target_semaphore(%arg16 : memref<!tpu.dma_semaphore, #tpu.memory_space<semaphore_mem>>)
      %dma_wait3A_279 = arith.constant 0 : i32
      %dma_wait3A_280 = arith.constant 0 : i32
      %dma_wait3A_281 = tpu.memref_slice %arg4[%dma_wait3A_279, %dma_wait3A_280] : memref<32768x2048xf32, #tpu.memory_space<hbm>> -> memref<8x2048xf32, #tpu.memory_space<hbm>>
      %dma_wait3A_282 = arith.constant 0 : i32
      %dma_wait3A_283 = arith.constant 0 : i32
      %dma_wait3A_284 = tpu.memref_slice %arg4[%dma_wait3A_282, %dma_wait3A_283] : memref<32768x2048xf32, #tpu.memory_space<hbm>> -> memref<8x2048xf32, #tpu.memory_space<hbm>>
      tpu.wait_dma2 semaphore(%arg14 : memref<!tpu.dma_semaphore, #tpu.memory_space<semaphore_mem>>) src(%arg6 : memref<8x2048xf32, #tpu.memory_space<vmem>>) dst(%dma_wait3A_284 : memref<8x2048xf32, #tpu.memory_space<hbm>>)
      %add3A_285 = arith.constant 2 : i32
      %add3A_286 = arith.addi %mul3A_201, %add3A_285 : i32
      %add3A_287 = arith.constant 2 : i32
      %add3A_288 = arith.addi %add3A_286, %add3A_287 : i32
      %mul3A_289 = arith.constant 8 : i32
      %mul3A_290 = arith.muli %add3A_288, %mul3A_289 : i32
      %dma_start3A_291 = tpu.memref_slice %arg5[%mul3A_290] : memref<1024xi32, #tpu.memory_space<vmem>> -> memref<8xi32, #tpu.memory_space<vmem>>
      %dma_start3A_292 = arith.constant 0 : i32
      %dma_start3A_293 = arith.constant 0 : i32
      %dma_start3A_294 = tpu.memref_slice %arg3[%dma_start3A_292, %dma_start3A_293] : memref<65632x2048xf32, #tpu.memory_space<hbm>> -> memref<65632x2048xf32, #tpu.memory_space<hbm>>
      tpu.enqueue_indirect_dma source(%dma_start3A_294 : memref<65632x2048xf32, #tpu.memory_space<hbm>>) target(%arg6 : memref<8x2048xf32, #tpu.memory_space<vmem>>) offsets(%dma_start3A_291 : memref<8xi32, #tpu.memory_space<vmem>>) semaphore(%arg10 : memref<!tpu.dma_semaphore, #tpu.memory_space<semaphore_mem>>)
      %dma_wait3A_295 = arith.constant 0 : i32
      %dma_wait3A_296 = arith.constant 0 : i32
      %dma_wait3A_297 = tpu.memref_slice %arg3[%dma_wait3A_295, %dma_wait3A_296] : memref<65632x2048xf32, #tpu.memory_space<hbm>> -> memref<8x2048xf32, #tpu.memory_space<hbm>>
      %dma_wait3A_298 = arith.constant 0 : i32
      %dma_wait3A_299 = arith.constant 0 : i32
      %dma_wait3A_300 = tpu.memref_slice %arg3[%dma_wait3A_298, %dma_wait3A_299] : memref<65632x2048xf32, #tpu.memory_space<hbm>> -> memref<8x2048xf32, #tpu.memory_space<hbm>>
      tpu.wait_dma2 semaphore(%arg13 : memref<!tpu.dma_semaphore, #tpu.memory_space<semaphore_mem>>) src(%dma_wait3A_300 : memref<8x2048xf32, #tpu.memory_space<hbm>>) dst(%arg9 : memref<8x2048xf32, #tpu.memory_space<vmem>>)
      %add3A_301 = arith.constant 3 : i32
      %add3A_302 = arith.addi %mul3A_201, %add3A_301 : i32
      %mul3A_303 = arith.constant 8 : i32
      %mul3A_304 = arith.muli %add3A_302, %mul3A_303 : i32
      %add3A_305 = arith.addi %mul3A_2, %mul3A_304 : i32
      %dma_start3A_306 = arith.constant 0 : i32
      %dma_start3A_307 = tpu.memref_slice %arg4[%add3A_305, %dma_start3A_306] : memref<32768x2048xf32, #tpu.memory_space<hbm>> -> memref<8x2048xf32, #tpu.memory_space<hbm>>
      %dma_start3A_308 = arith.constant 0 : i32
      %dma_start3A_309 = tpu.memref_slice %arg4[%add3A_305, %dma_start3A_308] : memref<32768x2048xf32, #tpu.memory_space<hbm>> -> memref<8x2048xf32, #tpu.memory_space<hbm>>
      tpu.enqueue_dma source(%arg9 : memref<8x2048xf32, #tpu.memory_space<vmem>>) target(%dma_start3A_309 : memref<8x2048xf32, #tpu.memory_space<hbm>>) target_semaphore(%arg17 : memref<!tpu.dma_semaphore, #tpu.memory_space<semaphore_mem>>)
      %dma_wait3A_310 = arith.constant 0 : i32
      %dma_wait3A_311 = arith.constant 0 : i32
      %dma_wait3A_312 = tpu.memref_slice %arg4[%dma_wait3A_310, %dma_wait3A_311] : memref<32768x2048xf32, #tpu.memory_space<hbm>> -> memref<8x2048xf32, #tpu.memory_space<hbm>>
      %dma_wait3A_313 = arith.constant 0 : i32
      %dma_wait3A_314 = arith.constant 0 : i32
      %dma_wait3A_315 = tpu.memref_slice %arg4[%dma_wait3A_313, %dma_wait3A_314] : memref<32768x2048xf32, #tpu.memory_space<hbm>> -> memref<8x2048xf32, #tpu.memory_space<hbm>>
      tpu.wait_dma2 semaphore(%arg15 : memref<!tpu.dma_semaphore, #tpu.memory_space<semaphore_mem>>) src(%arg7 : memref<8x2048xf32, #tpu.memory_space<vmem>>) dst(%dma_wait3A_315 : memref<8x2048xf32, #tpu.memory_space<hbm>>)
      %add3A_316 = arith.constant 3 : i32
      %add3A_317 = arith.addi %mul3A_201, %add3A_316 : i32
      %add3A_318 = arith.constant 2 : i32
      %add3A_319 = arith.addi %add3A_317, %add3A_318 : i32
      %mul3A_320 = arith.constant 8 : i32
      %mul3A_321 = arith.muli %add3A_319, %mul3A_320 : i32
      %dma_start3A_322 = tpu.memref_slice %arg5[%mul3A_321] : memref<1024xi32, #tpu.memory_space<vmem>> -> memref<8xi32, #tpu.memory_space<vmem>>
      %dma_start3A_323 = arith.constant 0 : i32
      %dma_start3A_324 = arith.constant 0 : i32
      %dma_start3A_325 = tpu.memref_slice %arg3[%dma_start3A_323, %dma_start3A_324] : memref<65632x2048xf32, #tpu.memory_space<hbm>> -> memref<65632x2048xf32, #tpu.memory_space<hbm>>
      tpu.enqueue_indirect_dma source(%dma_start3A_325 : memref<65632x2048xf32, #tpu.memory_space<hbm>>) target(%arg7 : memref<8x2048xf32, #tpu.memory_space<vmem>>) offsets(%dma_start3A_322 : memref<8xi32, #tpu.memory_space<vmem>>) semaphore(%arg11 : memref<!tpu.dma_semaphore, #tpu.memory_space<semaphore_mem>>)
      %scan3A_326 = arith.constant 0 : i32
      scf.yield %scan3A_326 : i32
    }
    %scan3A_103 = arith.constant 30 : i32
    %dma_wait3A_104 = arith.constant 0 : i32
    %dma_wait3A_105 = arith.constant 0 : i32
    %dma_wait3A_106 = tpu.memref_slice %arg3[%dma_wait3A_104, %dma_wait3A_105] : memref<65632x2048xf32, #tpu.memory_space<hbm>> -> memref<8x2048xf32, #tpu.memory_space<hbm>>
    %dma_wait3A_107 = arith.constant 0 : i32
    %dma_wait3A_108 = arith.constant 0 : i32
    %dma_wait3A_109 = tpu.memref_slice %arg3[%dma_wait3A_107, %dma_wait3A_108] : memref<65632x2048xf32, #tpu.memory_space<hbm>> -> memref<8x2048xf32, #tpu.memory_space<hbm>>
    tpu.wait_dma2 semaphore(%arg10 : memref<!tpu.dma_semaphore, #tpu.memory_space<semaphore_mem>>) src(%dma_wait3A_109 : memref<8x2048xf32, #tpu.memory_space<hbm>>) dst(%arg6 : memref<8x2048xf32, #tpu.memory_space<vmem>>)
    %add3A_110 = arith.constant 992 : i32
    %add3A_111 = arith.addi %mul3A_2, %add3A_110 : i32
    %dma_start3A_112 = arith.constant 0 : i32
    %dma_start3A_113 = tpu.memref_slice %arg4[%add3A_111, %dma_start3A_112] : memref<32768x2048xf32, #tpu.memory_space<hbm>> -> memref<8x2048xf32, #tpu.memory_space<hbm>>
    %dma_start3A_114 = arith.constant 0 : i32
    %dma_start3A_115 = tpu.memref_slice %arg4[%add3A_111, %dma_start3A_114] : memref<32768x2048xf32, #tpu.memory_space<hbm>> -> memref<8x2048xf32, #tpu.memory_space<hbm>>
    tpu.enqueue_dma source(%arg6 : memref<8x2048xf32, #tpu.memory_space<vmem>>) target(%dma_start3A_115 : memref<8x2048xf32, #tpu.memory_space<hbm>>) target_semaphore(%arg14 : memref<!tpu.dma_semaphore, #tpu.memory_space<semaphore_mem>>)
    %dma_wait3A_116 = arith.constant 0 : i32
    %dma_wait3A_117 = arith.constant 0 : i32
    %dma_wait3A_118 = tpu.memref_slice %arg4[%dma_wait3A_116, %dma_wait3A_117] : memref<32768x2048xf32, #tpu.memory_space<hbm>> -> memref<8x2048xf32, #tpu.memory_space<hbm>>
    %dma_wait3A_119 = arith.constant 0 : i32
    %dma_wait3A_120 = arith.constant 0 : i32
    %dma_wait3A_121 = tpu.memref_slice %arg4[%dma_wait3A_119, %dma_wait3A_120] : memref<32768x2048xf32, #tpu.memory_space<hbm>> -> memref<8x2048xf32, #tpu.memory_space<hbm>>
    tpu.wait_dma2 semaphore(%arg16 : memref<!tpu.dma_semaphore, #tpu.memory_space<semaphore_mem>>) src(%arg8 : memref<8x2048xf32, #tpu.memory_space<vmem>>) dst(%dma_wait3A_121 : memref<8x2048xf32, #tpu.memory_space<hbm>>)
    %dma_start3A_122 = arith.constant 1008 : i32
    %dma_start3A_123 = tpu.memref_slice %arg5[%dma_start3A_122] : memref<1024xi32, #tpu.memory_space<vmem>> -> memref<8xi32, #tpu.memory_space<vmem>>
    %dma_start3A_124 = arith.constant 0 : i32
    %dma_start3A_125 = arith.constant 0 : i32
    %dma_start3A_126 = tpu.memref_slice %arg3[%dma_start3A_124, %dma_start3A_125] : memref<65632x2048xf32, #tpu.memory_space<hbm>> -> memref<65632x2048xf32, #tpu.memory_space<hbm>>
    tpu.enqueue_indirect_dma source(%dma_start3A_126 : memref<65632x2048xf32, #tpu.memory_space<hbm>>) target(%arg8 : memref<8x2048xf32, #tpu.memory_space<vmem>>) offsets(%dma_start3A_123 : memref<8xi32, #tpu.memory_space<vmem>>) semaphore(%arg12 : memref<!tpu.dma_semaphore, #tpu.memory_space<semaphore_mem>>)
    %dma_wait3A_127 = arith.constant 0 : i32
    %dma_wait3A_128 = arith.constant 0 : i32
    %dma_wait3A_129 = tpu.memref_slice %arg3[%dma_wait3A_127, %dma_wait3A_128] : memref<65632x2048xf32, #tpu.memory_space<hbm>> -> memref<8x2048xf32, #tpu.memory_space<hbm>>
    %dma_wait3A_130 = arith.constant 0 : i32
    %dma_wait3A_131 = arith.constant 0 : i32
    %dma_wait3A_132 = tpu.memref_slice %arg3[%dma_wait3A_130, %dma_wait3A_131] : memref<65632x2048xf32, #tpu.memory_space<hbm>> -> memref<8x2048xf32, #tpu.memory_space<hbm>>
    tpu.wait_dma2 semaphore(%arg11 : memref<!tpu.dma_semaphore, #tpu.memory_space<semaphore_mem>>) src(%dma_wait3A_132 : memref<8x2048xf32, #tpu.memory_space<hbm>>) dst(%arg7 : memref<8x2048xf32, #tpu.memory_space<vmem>>)
    %add3A_133 = arith.constant 1000 : i32
    %add3A_134 = arith.addi %mul3A_2, %add3A_133 : i32
    %dma_start3A_135 = arith.constant 0 : i32
    %dma_start3A_136 = tpu.memref_slice %arg4[%add3A_134, %dma_start3A_135] : memref<32768x2048xf32, #tpu.memory_space<hbm>> -> memref<8x2048xf32, #tpu.memory_space<hbm>>
    %dma_start3A_137 = arith.constant 0 : i32
    %dma_start3A_138 = tpu.memref_slice %arg4[%add3A_134, %dma_start3A_137] : memref<32768x2048xf32, #tpu.memory_space<hbm>> -> memref<8x2048xf32, #tpu.memory_space<hbm>>
    tpu.enqueue_dma source(%arg7 : memref<8x2048xf32, #tpu.memory_space<vmem>>) target(%dma_start3A_138 : memref<8x2048xf32, #tpu.memory_space<hbm>>) target_semaphore(%arg15 : memref<!tpu.dma_semaphore, #tpu.memory_space<semaphore_mem>>)
    %dma_wait3A_139 = arith.constant 0 : i32
    %dma_wait3A_140 = arith.constant 0 : i32
    %dma_wait3A_141 = tpu.memref_slice %arg4[%dma_wait3A_139, %dma_wait3A_140] : memref<32768x2048xf32, #tpu.memory_space<hbm>> -> memref<8x2048xf32, #tpu.memory_space<hbm>>
    %dma_wait3A_142 = arith.constant 0 : i32
    %dma_wait3A_143 = arith.constant 0 : i32
    %dma_wait3A_144 = tpu.memref_slice %arg4[%dma_wait3A_142, %dma_wait3A_143] : memref<32768x2048xf32, #tpu.memory_space<hbm>> -> memref<8x2048xf32, #tpu.memory_space<hbm>>
    tpu.wait_dma2 semaphore(%arg17 : memref<!tpu.dma_semaphore, #tpu.memory_space<semaphore_mem>>) src(%arg9 : memref<8x2048xf32, #tpu.memory_space<vmem>>) dst(%dma_wait3A_144 : memref<8x2048xf32, #tpu.memory_space<hbm>>)
    %dma_start3A_145 = arith.constant 1016 : i32
    %dma_start3A_146 = tpu.memref_slice %arg5[%dma_start3A_145] : memref<1024xi32, #tpu.memory_space<vmem>> -> memref<8xi32, #tpu.memory_space<vmem>>
    %dma_start3A_147 = arith.constant 0 : i32
    %dma_start3A_148 = arith.constant 0 : i32
    %dma_start3A_149 = tpu.memref_slice %arg3[%dma_start3A_147, %dma_start3A_148] : memref<65632x2048xf32, #tpu.memory_space<hbm>> -> memref<65632x2048xf32, #tpu.memory_space<hbm>>
    tpu.enqueue_indirect_dma source(%dma_start3A_149 : memref<65632x2048xf32, #tpu.memory_space<hbm>>) target(%arg9 : memref<8x2048xf32, #tpu.memory_space<vmem>>) offsets(%dma_start3A_146 : memref<8xi32, #tpu.memory_space<vmem>>) semaphore(%arg13 : memref<!tpu.dma_semaphore, #tpu.memory_space<semaphore_mem>>)
    %dma_wait3A_150 = arith.constant 0 : i32
    %dma_wait3A_151 = arith.constant 0 : i32
    %dma_wait3A_152 = tpu.memref_slice %arg3[%dma_wait3A_150, %dma_wait3A_151] : memref<65632x2048xf32, #tpu.memory_space<hbm>> -> memref<8x2048xf32, #tpu.memory_space<hbm>>
    %dma_wait3A_153 = arith.constant 0 : i32
    %dma_wait3A_154 = arith.constant 0 : i32
    %dma_wait3A_155 = tpu.memref_slice %arg3[%dma_wait3A_153, %dma_wait3A_154] : memref<65632x2048xf32, #tpu.memory_space<hbm>> -> memref<8x2048xf32, #tpu.memory_space<hbm>>
    tpu.wait_dma2 semaphore(%arg12 : memref<!tpu.dma_semaphore, #tpu.memory_space<semaphore_mem>>) src(%dma_wait3A_155 : memref<8x2048xf32, #tpu.memory_space<hbm>>) dst(%arg8 : memref<8x2048xf32, #tpu.memory_space<vmem>>)
    %add3A_156 = arith.constant 1008 : i32
    %add3A_157 = arith.addi %mul3A_2, %add3A_156 : i32
    %dma_start3A_158 = arith.constant 0 : i32
    %dma_start3A_159 = tpu.memref_slice %arg4[%add3A_157, %dma_start3A_158] : memref<32768x2048xf32, #tpu.memory_space<hbm>> -> memref<8x2048xf32, #tpu.memory_space<hbm>>
    %dma_start3A_160 = arith.constant 0 : i32
    %dma_start3A_161 = tpu.memref_slice %arg4[%add3A_157, %dma_start3A_160] : memref<32768x2048xf32, #tpu.memory_space<hbm>> -> memref<8x2048xf32, #tpu.memory_space<hbm>>
    tpu.enqueue_dma source(%arg8 : memref<8x2048xf32, #tpu.memory_space<vmem>>) target(%dma_start3A_161 : memref<8x2048xf32, #tpu.memory_space<hbm>>) target_semaphore(%arg16 : memref<!tpu.dma_semaphore, #tpu.memory_space<semaphore_mem>>)
    %dma_wait3A_162 = arith.constant 0 : i32
    %dma_wait3A_163 = arith.constant 0 : i32
    %dma_wait3A_164 = tpu.memref_slice %arg4[%dma_wait3A_162, %dma_wait3A_163] : memref<32768x2048xf32, #tpu.memory_space<hbm>> -> memref<8x2048xf32, #tpu.memory_space<hbm>>
    %dma_wait3A_165 = arith.constant 0 : i32
    %dma_wait3A_166 = arith.constant 0 : i32
    %dma_wait3A_167 = tpu.memref_slice %arg4[%dma_wait3A_165, %dma_wait3A_166] : memref<32768x2048xf32, #tpu.memory_space<hbm>> -> memref<8x2048xf32, #tpu.memory_space<hbm>>
    tpu.wait_dma2 semaphore(%arg14 : memref<!tpu.dma_semaphore, #tpu.memory_space<semaphore_mem>>) src(%arg6 : memref<8x2048xf32, #tpu.memory_space<vmem>>) dst(%dma_wait3A_167 : memref<8x2048xf32, #tpu.memory_space<hbm>>)
    %dma_wait3A_168 = arith.constant 0 : i32
    %dma_wait3A_169 = arith.constant 0 : i32
    %dma_wait3A_170 = tpu.memref_slice %arg3[%dma_wait3A_168, %dma_wait3A_169] : memref<65632x2048xf32, #tpu.memory_space<hbm>> -> memref<8x2048xf32, #tpu.memory_space<hbm>>
    %dma_wait3A_171 = arith.constant 0 : i32
    %dma_wait3A_172 = arith.constant 0 : i32
    %dma_wait3A_173 = tpu.memref_slice %arg3[%dma_wait3A_171, %dma_wait3A_172] : memref<65632x2048xf32, #tpu.memory_space<hbm>> -> memref<8x2048xf32, #tpu.memory_space<hbm>>
    tpu.wait_dma2 semaphore(%arg13 : memref<!tpu.dma_semaphore, #tpu.memory_space<semaphore_mem>>) src(%dma_wait3A_173 : memref<8x2048xf32, #tpu.memory_space<hbm>>) dst(%arg9 : memref<8x2048xf32, #tpu.memory_space<vmem>>)
    %add3A_174 = arith.constant 1016 : i32
    %add3A_175 = arith.addi %mul3A_2, %add3A_174 : i32
    %dma_start3A_176 = arith.constant 0 : i32
    %dma_start3A_177 = tpu.memref_slice %arg4[%add3A_175, %dma_start3A_176] : memref<32768x2048xf32, #tpu.memory_space<hbm>> -> memref<8x2048xf32, #tpu.memory_space<hbm>>
    %dma_start3A_178 = arith.constant 0 : i32
    %dma_start3A_179 = tpu.memref_slice %arg4[%add3A_175, %dma_start3A_178] : memref<32768x2048xf32, #tpu.memory_space<hbm>> -> memref<8x2048xf32, #tpu.memory_space<hbm>>
    tpu.enqueue_dma source(%arg9 : memref<8x2048xf32, #tpu.memory_space<vmem>>) target(%dma_start3A_179 : memref<8x2048xf32, #tpu.memory_space<hbm>>) target_semaphore(%arg17 : memref<!tpu.dma_semaphore, #tpu.memory_space<semaphore_mem>>)
    %dma_wait3A_180 = arith.constant 0 : i32
    %dma_wait3A_181 = arith.constant 0 : i32
    %dma_wait3A_182 = tpu.memref_slice %arg4[%dma_wait3A_180, %dma_wait3A_181] : memref<32768x2048xf32, #tpu.memory_space<hbm>> -> memref<8x2048xf32, #tpu.memory_space<hbm>>
    %dma_wait3A_183 = arith.constant 0 : i32
    %dma_wait3A_184 = arith.constant 0 : i32
    %dma_wait3A_185 = tpu.memref_slice %arg4[%dma_wait3A_183, %dma_wait3A_184] : memref<32768x2048xf32, #tpu.memory_space<hbm>> -> memref<8x2048xf32, #tpu.memory_space<hbm>>
    tpu.wait_dma2 semaphore(%arg15 : memref<!tpu.dma_semaphore, #tpu.memory_space<semaphore_mem>>) src(%arg7 : memref<8x2048xf32, #tpu.memory_space<vmem>>) dst(%dma_wait3A_185 : memref<8x2048xf32, #tpu.memory_space<hbm>>)
    %dma_wait3A_186 = arith.constant 0 : i32
    %dma_wait3A_187 = arith.constant 0 : i32
    %dma_wait3A_188 = tpu.memref_slice %arg4[%dma_wait3A_186, %dma_wait3A_187] : memref<32768x2048xf32, #tpu.memory_space<hbm>> -> memref<8x2048xf32, #tpu.memory_space<hbm>>
    %dma_wait3A_189 = arith.constant 0 : i32
    %dma_wait3A_190 = arith.constant 0 : i32
    %dma_wait3A_191 = tpu.memref_slice %arg4[%dma_wait3A_189, %dma_wait3A_190] : memref<32768x2048xf32, #tpu.memory_space<hbm>> -> memref<8x2048xf32, #tpu.memory_space<hbm>>
    tpu.wait_dma2 semaphore(%arg16 : memref<!tpu.dma_semaphore, #tpu.memory_space<semaphore_mem>>) src(%arg8 : memref<8x2048xf32, #tpu.memory_space<vmem>>) dst(%dma_wait3A_191 : memref<8x2048xf32, #tpu.memory_space<hbm>>)
    %dma_wait3A_192 = arith.constant 0 : i32
    %dma_wait3A_193 = arith.constant 0 : i32
    %dma_wait3A_194 = tpu.memref_slice %arg4[%dma_wait3A_192, %dma_wait3A_193] : memref<32768x2048xf32, #tpu.memory_space<hbm>> -> memref<8x2048xf32, #tpu.memory_space<hbm>>
    %dma_wait3A_195 = arith.constant 0 : i32
    %dma_wait3A_196 = arith.constant 0 : i32
    %dma_wait3A_197 = tpu.memref_slice %arg4[%dma_wait3A_195, %dma_wait3A_196] : memref<32768x2048xf32, #tpu.memory_space<hbm>> -> memref<8x2048xf32, #tpu.memory_space<hbm>>
    tpu.wait_dma2 semaphore(%arg17 : memref<!tpu.dma_semaphore, #tpu.memory_space<semaphore_mem>>) src(%arg9 : memref<8x2048xf32, #tpu.memory_space<vmem>>) dst(%dma_wait3A_197 : memref<8x2048xf32, #tpu.memory_space<hbm>>)
    return
  }
}

</mosaic_0001>

<sc_bundles>
// kernel: _sc_embedding_gather.3.cloned.1.call-start
scs
__scs_entry_jumppad:
0x0: {  	(pc) =	sbr.rel $0x88, $3  }
0x1: {  	(tag) =	ssettag $0x0;
	lr =	simm.s32 $0x1  }
0x2: {  	[smem:$0x3F9F] =	sst lr;
	_ =	strace $0xD0000000  }
0x3: {  	_ = 	snop  }
0x4: {  	_ = 	snop  }
0x5: {  	_ = 	snop  }
0x6: {  	_ = 	snop  }
0x7: {  	_ = 	snop  }
__scs_overlays_trampoline_lowered:
0x8: {  	[smem:$0x3FAE] =	sst s0  }
0x9: {  	[smem:$0x3FAF] =	sst s1  }
0xa: {  	[smem:$0x3FB0] =	sst s2  }
0xb: {  	[smem:$0x3FB1] =	sst s3  }
0xc: {  	[smem:$0x3FB2] =	sst s4  }
0xd: {  	[smem:$0x3FB3] =	sst s5  }
0xe: {  	[smem:$0x3FB4] =	sst s6  }
0xf: {  	[smem:$0x3FB5] =	sst s7  }
0x10: {  	[smem:$0x3FB6] =	sst s8  }
0x11: {  	[smem:$0x3FB7] =	sst s9;
	s0 =	simm.s32 @!p0 $0x0  }
0x12: {  	s1 =	sld [smem:$0x3F9D];
	s0 =	simm.s32 @p0 $0x1  }
0x13: {  	[smem:$0x3FB8] =	sst s0;
	s0 =	simm.s32 @!p1 $0x0  }
0x14: {  	s2 =	sld [smem:$0x3F9C];
	s0 =	simm.s32 @p1 $0x1  }
0x15: {  	[smem:$0x3FB9] =	sst s0;
	s0 =	simm.s32 @!p2 $0x0  }
0x16: {  	s3 =	sld [smem:$0x3FDB];
	s0 =	simm.s32 @p2 $0x1  }
0x17: {  	s4 =	simm.s32 $0x1BF5;
	[smem:$0x3FBB] =	sst s0  }
0x18: {  	s0 =	sld [smem:$0x3F9E];
	_ =	swait.ge [sflag:s4], $0x0  }
0x19: {  	s7 =	sld [smem:$0x3F9F]  }
0x1a: {  	s8 =	sadd.s32 $0xFFFFE003, lr  }
0x1b: {  	s9 =	sadd.s32 $0xFFFFFEF7, lr;
	s5 =	simm.s32 $0xFFFFFFFF;
	p2 =	slt.u32 s8, $0xFFFFF086  }
0x1c: {  	p1 =	slt.u32 s9, $0xF7A;
	s5 =	simm.s32 @!p2 $0x0  }
0x1d: {  	s5 =	simm.s32 @p1 $0x1;
	p0 =	seq.s32 s7, s2  }
0x1e: {  	s7 =	smul.u32 @!p0 $0xF7A, s2;
	p2 =	seq.s32 @!p0 s5, $0x0  }
0x1f: {  	s9 =	smul.u32 $0xF7A, s1;
	s8 =	simm.s32 @!p0 $0x1BF5;
	p2 =	por !p2, p0  }
0x20: {  	[sflag:s8] =	ssyncset.s32 @!p0 $0xFFFFF086;
	s6 =	sadd.s32 @!p0 s3, s7;
	s7 =	simm.s32 @!p0 $0x108  }
0x21: {  	s3 =	sadd.s32 s3, s9;
	s6 =	sadd.s32 @!p0 $0x88, s6;
	s7 =	simm.s32 @p2 $0x1082  }
0x22: {  	[simem:s7], [sflag:s8] =	dma.local @!p0 [hbm:s6], $0xF7A  }
0x23: {  	s9 =	sor.u32 $0xD0000000, s2;
	s6 =	simm.s32 $0x108;
	_ =	swait.ge @!p0 [sflag:s8], $0x0  }
0x24: {  	s3 =	sadd.s32 $0x88, s3;
	s6 =	simm.s32 @!p1 $0x1082;
	[sflag:s4] =	ssyncset.s32 $0xFFFFF086  }
0x25: {  	[simem:s6], [sflag:s4] =	dma.local [hbm:s3], $0xF7A  }
0x26: {  	[smem:$0x3F9F] =	sst s1;
	(tag) =	ssettag s2;
	_ =	strace s9  }
0x27: {  	s1 =	sld [smem:$0x3FAF]  }
0x28: {  	s2 =	sld [smem:$0x3FB0]  }
0x29: {  	s4 =	sld [smem:$0x3FB2]  }
0x2a: {  	p0 =	seq.s32 s5, $0x0;
	s5 =	sld [smem:$0x3FB3]  }
0x2b: {  	s6 =	sld [smem:$0x3FB4]  }
0x2c: {  	s7 =	sld [smem:$0x3FB5]  }
0x2d: {  	s3 =	simm.s32 $0x108;
	s8 =	sld [smem:$0x3FB6]  }
0x2e: {  	s3 =	simm.s32 @!p0 $0x1082;
	s9 =	sld [smem:$0x3FB7]  }
0x2f: {  	lr =	sadd.s32 s0, s3;
	s0 =	sld [smem:$0x3FAE]  }
0x30: {  	s3 =	sld [smem:$0x3FB1]  }
0x31: {  	[smem:$0x3FBA] =	sst s10  }
0x32: {  	s10 =	sld [smem:$0x3FB8];
	_ =	sdelay $0x3  }
0x33: {  	p0 =	seq.s32 s10, $0x1;
	s10 =	sld [smem:$0x3FBA];
	_ =	sdelay $0x3  }
0x34: {  	[smem:$0x3FBA] =	sst s10  }
0x35: {  	s10 =	sld [smem:$0x3FB9];
	_ =	sdelay $0x3  }
0x36: {  	p1 =	seq.s32 s10, $0x1;
	s10 =	sld [smem:$0x3FBA];
	_ =	sdelay $0x3  }
0x37: {  	[smem:$0x3FBA] =	sst s10  }
0x38: {  	s10 =	sld [smem:$0x3FBB]  }
0x39: {  	_ = 	snop;
	(pc) =	sbr.ind lr, $3  }
0x3a: {  	_ = 	snop  }
0x3b: {  	_ = 	snop  }
0x3c: {  	p2 =	seq.s32 s10, $0x1;
	s10 =	sld [smem:$0x3FBA]  }
0x3d: {  	_ =	shalt  }
0x3e: {  	_ =	shalt  }
0x3f: {  	_ =	shalt  }
0x40: {  	_ =	shalt  }
0x41: {  	_ =	shalt  }
0x42: {  	_ =	shalt  }
0x43: {  	_ =	shalt  }
0x44: {  	_ =	shalt  }
0x45: {  	_ =	shalt  }
0x46: {  	_ =	shalt  }
0x47: {  	_ =	shalt  }
0x48: {  	_ =	shalt  }
0x49: {  	_ =	shalt  }
0x4a: {  	_ =	shalt  }
0x4b: {  	_ =	shalt  }
0x4c: {  	_ =	shalt  }
0x4d: {  	_ =	shalt  }
0x4e: {  	_ =	shalt  }
0x4f: {  	_ =	shalt  }
0x50: {  	_ =	shalt  }
0x51: {  	_ =	shalt  }
0x52: {  	_ =	shalt  }
0x53: {  	_ =	shalt  }
0x54: {  	_ =	shalt  }
0x55: {  	_ =	shalt  }
0x56: {  	_ =	shalt  }
0x57: {  	_ =	shalt  }
0x58: {  	_ =	shalt  }
0x59: {  	_ =	shalt  }
0x5a: {  	_ =	shalt  }
0x5b: {  	_ =	shalt  }
0x5c: {  	_ =	shalt  }
0x5d: {  	_ =	shalt  }
0x5e: {  	_ =	shalt  }
0x5f: {  	_ =	shalt  }
0x60: {  	_ =	shalt  }
0x61: {  	_ =	shalt  }
0x62: {  	_ =	shalt  }
0x63: {  	_ =	shalt  }
0x64: {  	_ =	shalt  }
0x65: {  	_ =	shalt  }
0x66: {  	_ =	shalt  }
0x67: {  	_ =	shalt  }
0x68: {  	_ =	shalt  }
0x69: {  	_ =	shalt  }
0x6a: {  	_ =	shalt  }
0x6b: {  	_ =	shalt  }
0x6c: {  	_ =	shalt  }
0x6d: {  	_ =	shalt  }
0x6e: {  	_ =	shalt  }
0x6f: {  	_ =	shalt  }
0x70: {  	_ =	shalt  }
0x71: {  	_ =	shalt  }
0x72: {  	_ =	shalt  }
0x73: {  	_ =	shalt  }
0x74: {  	_ =	shalt  }
0x75: {  	_ =	shalt  }
0x76: {  	_ =	shalt  }
0x77: {  	_ =	shalt  }
0x78: {  	_ =	shalt  }
0x79: {  	_ =	shalt  }
0x7a: {  	_ =	shalt  }
0x7b: {  	_ =	shalt  }
0x7c: {  	_ =	shalt  }
0x7d: {  	_ =	shalt  }
0x7e: {  	_ =	shalt  }
0x7f: {  	_ =	shalt  }
0x80: {  	_ =	shalt  }
0x81: {  	_ =	shalt  }
0x82: {  	_ =	shalt  }
0x83: {  	_ =	shalt  }
0x84: {  	_ =	shalt  }
0x85: {  	_ =	shalt  }
0x86: {  	_ =	shalt  }
0x87: {  	_ =	shalt  }
.Lfunc_end0:
.L_simem_size_0:
called_computation_lowered:
.L_overlay_start_0:
0x88: {  	s2 =	sld [smem:$0x3FD9]  }
0x89: {  	s3 =	sld [smem:$0x3FFE];
	_ =	sdelay $0x1  }
0x8a: {  	s1 =	srdreg.scid  }
0x8b: {  	s0 =	sand.u32 $0x1, s1  }
0x8c: {  	s18 =	sshll.u32 s0, $0xA;
	s2 =	sadd.s32 s3, s2  }
0x8d: {  	s2 =	sadd.s32 s2, s18  }
0x8e: {  	[smem:$0x3FC6] =	sst s2  }
0x8f: {  	_ = 	snop  }
0x90: {  	s2 =	sld [smem:$0x3FC9]  }
0x91: {  	s19 =	sld [smem:$0x3FC8]  }
0x92: {  	s4 =	sld [smem:$0x3FD0];
	(tm) =	ssettm $0x1  }
0x93: {  	s5 =	sld [smem:$0x3FFB];
	_ =	sdelay $0x3  }
0x94: {  	_ =	strace s5  }
0x95: {  	s5 =	sld [smem:$0x3FFC];
	_ =	sdelay $0x3  }
0x96: {  	_ =	strace s5  }
0x97: {  	s5 =	sld [smem:$0x3FFD];
	_ =	sdelay $0x3  }
0x98: {  	_ =	strace s5  }
0x99: {  	_ =	strace $0x8FFFFFFF  }
0x9a: {  	s20 =	sld [smem:$0x3FDB];
	_ =	sdelay $0x1  }
0x9b: {  	s6 =	simm.s32 $_scs_section_size  }
0x9c: {  	s7 =	simm.s32 $_size__tile_overlayer_lowered;
	s8 =	simm.s32 $_tile_overlayer_lowered  }
0x9d: {  	s23 =	simm.s32 $0x1BFF;
	s22 =	sshll.u32 s8, $0x1;
	s5 =	sadd.s32 s6, s20  }
0x9e: {  	s9 =	simm.s32 $0x0;
	s21 =	sshll.u32 s7, $0x1;
	s7 =	sadd.s32 s22, s5  }
0x9f: {  	[timem:s9], [sflag:s23] =	dma.local [hbm:s7], s21  }
0xa0: {  	_ =	swait.ge [sflag:s23], s21  }
0xa1: {  	s6 =	ssub.s32 $0x0, s21;
	[sflag:s23] =	ssyncset.done $0x0  }
0xa2: {  	[sflag:s23] =	ssyncadd.s32 s6;
	_ =	sdelay $0x1  }
0xa3: {  	s24 =	simm.s32 $0x1B8B  }
0xa4: {  	_ =	swait.ge [sflag:s24], $0x1  }
0xa5: {  	[sflag:s24] =	ssyncset.done $0x0  }
0xa6: {  	s25 =	simm.s32 $0x1B8E;
	[sflag:s24] =	ssyncadd.s32 $0xFFFFFFFF  }
0xa7: {  	s26 =	simm.s32 $execute0_lowered;
	[smem:$0x3FD2] =	sst s25  }
0xa8: {  	s6 =	sshll.u32 s26, $0x1;
	_ =	strace $0x80000046;
	[dreg:$0x1] =	wrdreg $0xFFFFFFFF  }
0xa9: {  	s28 =	simm.s32 $_size_execute0_lowered;
	s5 =	sadd.s32 s5, s6;
	[dreg:$0x0] =	wrdreg $0x0  }
0xaa: {  	s6 =	sshll.u32 s28, $0x1;
	[dreg:$0x2] =	wrdreg s5  }
0xab: {  	[dreg:$0x3] =	wrdreg s6  }
0xac: {  	[dreg:$0x4] =	wrdreg $0xC0  }
0xad: {  	_ =	task [dreg:s9], $0x5FFFF  }
0xae: {  	[dreg:$0x1] =	wrdreg $0xFFFFFFFF  }
0xaf: {  	[dreg:$0x0] =	wrdreg $0x60  }
0xb0: {  	[dreg:$0x2] =	wrdreg s2  }
0xb1: {  	[dreg:$0x3] =	wrdreg s19  }
0xb2: {  	[dreg:$0x4] =	wrdreg s4  }
0xb3: {  	[dreg:$0x5] =	wrdreg $0x9  }
0xb4: {  	_ =	task.clear_ibuf [dreg:s9], $0x6FFFF;
	_ =	strace $0x90000046  }
0xb5: {  	s29 =	simm.s32 $0x9;
	_ =	strace $0x80000048  }
0xb6: {  	_ =	swait.ge [sflag:s29], $0x1  }
0xb7: {  	[sflag:s29] =	ssyncadd.s32 $0xFFFFFFFF  }
0xb8: {  	_ =	strace $0x90000048  }
0xb9: {  	_ =	sfence  }
0xba: {  	s30 =	sld [smem:$0x0];
	_ =	sdelay $0x2  }
0xbb: {  	s31 =	sshll.u32 s1, $0xD;
	s1 =	sshrl.u32 s1, $0x2  }
0xbc: {  	s3 =	sand.u32 $0x4000, s31;
	s1 =	sadd.s32 s1, s30  }
0xbd: {  	s0 =	sor.u32 s3, s0;
	s1 =	sshll.u32 s1, $0x11  }
0xbe: {  	s0 =	sor.u32 s1, s0  }
0xbf: {  	s0 =	sadd.s32 $0x8F2B, s0  }
0xc0: {  	[sflag:s0] =	ssyncadd.remote.s32 $0x1  }
0xc1: {  	_ =	sfence.sel $0xFFFF  }
0xc2: {  	[dreg:$0x0] =	wrdreg $0xFFFFFFFF;
	(pc) =	sbr.abs _section_cstart, $3  }
0xc3: {  	[dreg:$0x1] =	wrdreg $0xFFFFFFFF  }
0xc4: {  	_ =	task.clear_ibuf [dreg:s9], $0x2FFFF;
	_ =	strace $0x9FFFFFFF  }
0xc5: {  	(tm) =	ssettm $0x7FFFFFFF  }
tec
execute0_lowered:
.L_overlay_start_1:
0x0: {  	(tag) =	ssettag $0x1  }
0x1: {  	s0 =	rddreg [dreg:$0x0]  }
0x2: {  	s1 =	rddreg [dreg:$0x1]  }
0x3: {  	s2 =	rddreg [dreg:$0x2]  }
0x4: {  	s4 =	srdreg.scid;
	s3 =	simm.s32 $0x0;
	s14 =	stileid.u32  }
0x5: {  	s28 =	simm.s32 $0x2;
	s29 =	simm.s32 $0xC400;
	s31 =	simm.s32 $0x8C00  }
0x6: {  	s4 =	sand.u32 $0x1, s4;
	s6 =	sshll.u32 s14, $0xB;
	[smem:$0x7FF] =	sst s3  }
0x7: {  	s9 =	sadd.s32 $0x500, s1;
	s10 =	sadd.s32 $0x600, s1;
	s12 =	sadd.s32 $0x700, s1  }
0x8: {  	s21 =	sshll.u32 s14, $0x13;
	s14 =	simm.s32 $0xAC00;
	s5 =	ssub.s32 $0x2, s4  }
0x9: {  	s7 =	sshll.u32 s4, $0xA;
	_ =	strace $0x80000047;
	s23 =	sshll.u32 s4, $0x12  }
0xa: {  	s4 =	simm.s32 $0x9C00;
	s8 =	sshrl.u32 s5, $0x1;
	s11 =	sor.u32 s7, s6  }
0xb: {  	s6 =	sadd.s32 $0x200, s1;
	s16 =	sshrl.u32 s11, $0x3;
	s30 =	sor.u32 $0x20, s11  }
0xc: {  	s17 =	sshll.u32 s11, $0x8;
	s0 =	sadd.s32 s0, s16;
	[dreg:$0xf] =	wrdreg s30  }
0xd: {  	s13 =	ssub.s32 s5, s8;
	s15 =	sadd.s32 s2, s17;
	[dreg:$0x5] =	wrdreg s0  }
0xe: {  	s7 =	sadd.s32 $0x300, s1;
	s26 =	smax.u32 s13, $0x1;
	[dreg:$0x6] =	wrdreg s15  }
0xf: {  	s5 =	sadd.s32 $0x100, s1;
	s0 =	sadd.s32 $0x800, s15;
	[dreg:$0xe] =	wrdreg s26  }
0x10: {  	s8 =	sadd.s32 $0x400, s1;
	s18 =	sadd.s32 $0x1000, s15;
	[dreg:$0x7] =	wrdreg s0  }
0x11: {  	s11 =	simm.s32 $0x6;
	s19 =	sadd.s32 $0x1800, s15;
	[dreg:$0x8] =	wrdreg s18  }
0x12: {  	s16 =	simm.s32 $0x3;
	s20 =	sadd.s32 $0x3E000, s15;
	[dreg:$0x9] =	wrdreg s19  }
0x13: {  	s17 =	simm.s32 $0x5;
	s22 =	sadd.s32 $0x3E800, s15;
	[dreg:$0xa] =	wrdreg s20  }
0x14: {  	s13 =	simm.s32 $0xA400;
	s24 =	sadd.s32 $0x3F000, s15;
	[dreg:$0xb] =	wrdreg s22  }
0x15: {  	s25 =	sadd.s32 $0x3F800, s15;
	s15 =	simm.s32 $0xB400;
	[dreg:$0xc] =	wrdreg s24  }
0x16: {  	v0 =	vlaneseq.u32;
	s0 =	sadd.s32 s21, s2;
	[dreg:$0xd] =	wrdreg s25;
	s18 =	simm.s32 $0x1  }
0x17: {  	v1 =	vmul.u32 $0x803, v0;
	s19 =	simm.s32 $0x8400;
	s20 =	simm.s32 $0x4;
	s22 =	simm.s32 $0x7  }
0x18: {  	vm0 =	vmmov $0xffff;
	v4 =	vshrl.u32 v0, $0x3;
	s21 =	simm.s32 $0x8;
	s2 =	simm.s32 $0x0;
	s0 =	sadd.s32 s23, s0  }
0x19: {  	v3 =	vand.u32 $0x7, v0;
	v4 =	vmul.u32 $0x8, v4;
	v2 =	vadd.s32 $0x8030, v1;
	s23 =	simm.s32 $0x400;
	[dreg:$0x4] =	wrdreg s0;
	s0 =	simm.s32 $0x4400  }
.LBB2_1:
0x1a: {  	[dreg:$0x10] =	wrdreg s2  }
0x1b: {  	s24 =	rddreg [dreg:$0x5];
	s26 =	simm.s32 $0x9  }
0x1c: {  	[tilespmem:s3], [sflag:$0x9] =	stream.linear.gather [hbm4b:s24+s3], $0x400, $0x38;
	[tilespmem:$0x10400] =	vst v63  }
0x1d: {  	_ =	swait.ge [sflag:s26], $0x400  }
0x1e: {  	[sflag:s26] =	ssyncset.done $0x0  }
0x1f: {  	s24 =	simm.s32 $0x20;
	[sflag:s26] =	ssyncadd.s32 $0xFFFFFC00  }
0x20: {  	s30 =	rddreg [dreg:$0xf];
	v7 =	vld [tilespmem:s24+$0xFFFFFFE0]  }
0x21: {  	v5 =	vor.u32 s30, v0;
	v8 =	vld [tilespmem:s24+$0x0]  }
0x22: {  	v6 =	vand.u32 $0x1F, v5;
	v5 =	vld [tilespmem:s24+$0x10]  }
0x23: {  	v9 =	vmul.u32 $0x803, v6;
	v6 =	vld [tilespmem:s24+$0xFFFFFFF0];
	_ =	sdelay $0x1  }
0x24: {  	v7 =	vadd.s32 v1, v7  }
0x25: {  	s25 =	simm.s32 $0x0;
	s26 =	simm.s32 $0x60;
	[tilespmem:s24+$0xFFFFFFE0] =	vst v7;
	v7 =	vadd.s32 v9, v8  }
.LBB2_2:
0x26: {  	v8 =	vld [tilespmem:s26+$0xFFFFFFE0];
	[tilespmem:s24+$0x0] =	vst v7;
	v5 =	vadd.s32 v2, v5;
	s25 =	sadd.s32 $0x4, s25  }
0x27: {  	s30 =	sadd.s32 $0x40, s30;
	v7 =	vld [tilespmem:s26+$0x0];
	v6 =	vadd.s32 v2, v6;
	[tilespmem:s24+$0x10] =	vst v5;
	p0 =	slt.u32 s25, $0x3C  }
.Ltmp0:
0x28: {  	v9 =	vor.u32 s30, v0;
	v5 =	vld [tilespmem:s26+$0x10];
	[tilespmem:s24+$0xFFFFFFF0] =	vst v6;
	s24 =	smov.u32 s26;
	(pc) =	sbr.rel @p0 .LBB2_2-.Ltmp0, $4  }
0x29: {  	v9 =	vand.u32 $0x1F, v9;
	v6 =	vld [tilespmem:s26+$0xFFFFFFF0]  }
0x2a: {  	v9 =	vmul.u32 $0x803, v9  }
0x2b: {  	v8 =	vadd.s32 v1, v8  }
0x2c: {  	s26 =	sadd.s32 $0x40, s26;
	[tilespmem:s24+$0xFFFFFFE0] =	vst v8;
	v7 =	vadd.s32 v9, v7  }
0x2d: {  	[tilespmem:s24+$0x0] =	vst v7;
	v5 =	vadd.s32 v2, v5  }
0x2e: {  	v6 =	vadd.s32 v2, v6;
	[tilespmem:s24+$0x10] =	vst v5  }
0x2f: {  	[tilespmem:s24+$0xFFFFFFF0] =	vst v6  }
0x30: {  	v5 =	vld.msk [tilespmem:$0x0], $0xff;
	_ =	sdelay $0x4  }
0x31: {  	v6 =	vshll.u32 v5, $0x4  }
0x32: {  	v5 =	vand.u32 $0x7, v5;
	v6 =	vand.u32 $0xFFFFFF80, v6  }
0x33: {  	v5 =	vor.u32 v5, v6  }
0x34: {  	v5 =	vperm.xlane v5, v3;
	_ =	sdelay $0x1  }
0x35: {  	v5 =	vadd.s32 v4, v5;
	_ =	sdelay $0x3  }
0x36: {  	s24 =	simm.s32 $0x0  }
0x37: {  	[tilespmem:s23], [sflag:$0x1] =	stream.indirect_vreg.gather [hbm4b:s1+s24], $0x80, v5, vm0, $0xb8;
	[tilespmem:$0x10400] =	vst v63  }
0x38: {  	s26 =	simm.s32 $0xC00  }
0x39: {  	[tilespmem:s26], [sflag:$0x1] =	stream.indirect_vreg.gather [hbm4b:s5+s24], $0x80, v5, vm0, $0xb8;
	[tilespmem:$0x10400] =	vst v63  }
0x3a: {  	s30 =	simm.s32 $0x1400  }
0x3b: {  	[tilespmem:s30], [sflag:$0x1] =	stream.indirect_vreg.gather [hbm4b:s6+s24], $0x80, v5, vm0, $0xb8;
	[tilespmem:$0x10400] =	vst v63  }
0x3c: {  	s25 =	simm.s32 $0x1C00  }
0x3d: {  	[tilespmem:s25], [sflag:$0x1] =	stream.indirect_vreg.gather [hbm4b:s7+s24], $0x80, v5, vm0, $0xb8;
	[tilespmem:$0x10400] =	vst v63  }
0x3e: {  	s2 =	simm.s32 $0x2400  }
0x3f: {  	[tilespmem:s2], [sflag:$0x1] =	stream.indirect_vreg.gather [hbm4b:s8+s24], $0x80, v5, vm0, $0xb8;
	[tilespmem:$0x10400] =	vst v63  }
0x40: {  	s2 =	simm.s32 $0x2C00  }
0x41: {  	[tilespmem:s2], [sflag:$0x1] =	stream.indirect_vreg.gather [hbm4b:s9+s24], $0x80, v5, vm0, $0xb8;
	[tilespmem:$0x10400] =	vst v63  }
0x42: {  	s2 =	simm.s32 $0x3400  }
0x43: {  	[tilespmem:s2], [sflag:$0x1] =	stream.indirect_vreg.gather [hbm4b:s10+s24], $0x80, v5, vm0, $0xb8;
	[tilespmem:$0x10400] =	vst v63  }
0x44: {  	s2 =	simm.s32 $0x3C00  }
0x45: {  	[tilespmem:s2], [sflag:$0x1] =	stream.indirect_vreg.gather [hbm4b:s12+s24], $0x80, v5, vm0, $0xb8;
	[tilespmem:$0x10400] =	vst v63  }
0x46: {  	v5 =	vld.msk [tilespmem:$0x8], $0xff;
	_ =	sdelay $0x4  }
0x47: {  	v6 =	vshll.u32 v5, $0x4  }
0x48: {  	v5 =	vand.u32 $0x7, v5;
	v6 =	vand.u32 $0xFFFFFF80, v6  }
0x49: {  	v5 =	vor.u32 v5, v6  }
0x4a: {  	v5 =	vperm.xlane v5, v3;
	_ =	sdelay $0x1  }
0x4b: {  	v5 =	vadd.s32 v4, v5;
	_ =	sdelay $0x4  }
0x4c: {  	[tilespmem:s0], [sflag:$0x2] =	stream.indirect_vreg.gather [hbm4b:s1+s24], $0x80, v5, vm0, $0xb8;
	[tilespmem:$0x10400] =	vst v63  }
0x4d: {  	s2 =	simm.s32 $0x4C00  }
0x4e: {  	[tilespmem:s2], [sflag:$0x2] =	stream.indirect_vreg.gather [hbm4b:s5+s24], $0x80, v5, vm0, $0xb8;
	[tilespmem:$0x10400] =	vst v63  }
0x4f: {  	s2 =	simm.s32 $0x5400  }
0x50: {  	[tilespmem:s2], [sflag:$0x2] =	stream.indirect_vreg.gather [hbm4b:s6+s24], $0x80, v5, vm0, $0xb8;
	[tilespmem:$0x10400] =	vst v63  }
0x51: {  	s2 =	simm.s32 $0x5C00  }
0x52: {  	[tilespmem:s2], [sflag:$0x2] =	stream.indirect_vreg.gather [hbm4b:s7+s24], $0x80, v5, vm0, $0xb8;
	[tilespmem:$0x10400] =	vst v63  }
0x53: {  	s2 =	simm.s32 $0x6400  }
0x54: {  	[tilespmem:s2], [sflag:$0x2] =	stream.indirect_vreg.gather [hbm4b:s8+s24], $0x80, v5, vm0, $0xb8;
	[tilespmem:$0x10400] =	vst v63  }
0x55: {  	s2 =	simm.s32 $0x6C00  }
0x56: {  	[tilespmem:s2], [sflag:$0x2] =	stream.indirect_vreg.gather [hbm4b:s9+s24], $0x80, v5, vm0, $0xb8;
	[tilespmem:$0x10400] =	vst v63  }
0x57: {  	s2 =	simm.s32 $0x7400  }
0x58: {  	[tilespmem:s2], [sflag:$0x2] =	stream.indirect_vreg.gather [hbm4b:s10+s24], $0x80, v5, vm0, $0xb8;
	[tilespmem:$0x10400] =	vst v63  }
0x59: {  	s2 =	simm.s32 $0x7C00  }
0x5a: {  	[tilespmem:s2], [sflag:$0x2] =	stream.indirect_vreg.gather [hbm4b:s12+s24], $0x80, v5, vm0, $0xb8;
	[tilespmem:$0x10400] =	vst v63  }
0x5b: {  	_ =	swait.ge [sflag:s18], $0x4000  }
0x5c: {  	[sflag:s18] =	ssyncset.done $0x0  }
0x5d: {  	s2 =	rddreg [dreg:$0x6];
	[sflag:s18] =	ssyncadd.s32 $0xFFFFC000  }
0x5e: {  	[hbm4b:s2+s24] =	stream.linear.scatter [tilespmem:s23], [sflag:$0x5], $0x4000, $0x38;
	[tilespmem:$0x10400] =	vst v63  }
0x5f: {  	v5 =	vld.msk [tilespmem:$0x10], $0xff;
	_ =	sdelay $0x4  }
0x60: {  	v6 =	vshll.u32 v5, $0x4  }
0x61: {  	v5 =	vand.u32 $0x7, v5;
	v6 =	vand.u32 $0xFFFFFF80, v6  }
0x62: {  	v5 =	vor.u32 v5, v6  }
0x63: {  	v5 =	vperm.xlane v5, v3;
	_ =	sdelay $0x1  }
0x64: {  	v5 =	vadd.s32 v4, v5;
	_ =	sdelay $0x4  }
0x65: {  	[tilespmem:s19], [sflag:$0x3] =	stream.indirect_vreg.gather [hbm4b:s1+s24], $0x80, v5, vm0, $0xb8;
	[tilespmem:$0x10400] =	vst v63  }
0x66: {  	_ = 	snop  }
0x67: {  	[tilespmem:s31], [sflag:$0x3] =	stream.indirect_vreg.gather [hbm4b:s5+s24], $0x80, v5, vm0, $0xb8;
	[tilespmem:$0x10400] =	vst v63  }
0x68: {  	s2 =	simm.s32 $0x9400  }
0x69: {  	[tilespmem:s2], [sflag:$0x3] =	stream.indirect_vreg.gather [hbm4b:s6+s24], $0x80, v5, vm0, $0xb8;
	[tilespmem:$0x10400] =	vst v63  }
0x6a: {  	_ = 	snop  }
0x6b: {  	[tilespmem:s4], [sflag:$0x3] =	stream.indirect_vreg.gather [hbm4b:s7+s24], $0x80, v5, vm0, $0xb8;
	[tilespmem:$0x10400] =	vst v63  }
0x6c: {  	_ = 	snop  }
0x6d: {  	[tilespmem:s13], [sflag:$0x3] =	stream.indirect_vreg.gather [hbm4b:s8+s24], $0x80, v5, vm0, $0xb8;
	[tilespmem:$0x10400] =	vst v63  }
0x6e: {  	_ = 	snop  }
0x6f: {  	[tilespmem:s14], [sflag:$0x3] =	stream.indirect_vreg.gather [hbm4b:s9+s24], $0x80, v5, vm0, $0xb8;
	[tilespmem:$0x10400] =	vst v63  }
0x70: {  	_ = 	snop  }
0x71: {  	[tilespmem:s15], [sflag:$0x3] =	stream.indirect_vreg.gather [hbm4b:s10+s24], $0x80, v5, vm0, $0xb8;
	[tilespmem:$0x10400] =	vst v63  }
0x72: {  	s25 =	simm.s32 $0xBC00  }
0x73: {  	[tilespmem:s25], [sflag:$0x3] =	stream.indirect_vreg.gather [hbm4b:s12+s24], $0x80, v5, vm0, $0xb8;
	[tilespmem:$0x10400] =	vst v63  }
0x74: {  	_ =	swait.ge [sflag:s28], $0x4000  }
0x75: {  	[sflag:s28] =	ssyncset.done $0x0  }
0x76: {  	s25 =	rddreg [dreg:$0x7];
	[sflag:s28] =	ssyncadd.s32 $0xFFFFC000  }
0x77: {  	[hbm4b:s25+s24] =	stream.linear.scatter [tilespmem:s0], [sflag:$0x6], $0x4000, $0x38;
	[tilespmem:$0x10400] =	vst v63  }
0x78: {  	v5 =	vld.msk [tilespmem:$0x18], $0xff;
	_ =	sdelay $0x4  }
0x79: {  	v6 =	vshll.u32 v5, $0x4  }
0x7a: {  	v5 =	vand.u32 $0x7, v5;
	v6 =	vand.u32 $0xFFFFFF80, v6  }
0x7b: {  	v5 =	vor.u32 v5, v6  }
0x7c: {  	v5 =	vperm.xlane v5, v3;
	_ =	sdelay $0x1  }
0x7d: {  	v5 =	vadd.s32 v4, v5;
	_ =	sdelay $0x4  }
0x7e: {  	[tilespmem:s29], [sflag:$0x4] =	stream.indirect_vreg.gather [hbm4b:s1+s24], $0x80, v5, vm0, $0xb8;
	[tilespmem:$0x10400] =	vst v63  }
0x7f: {  	s25 =	simm.s32 $0xCC00  }
0x80: {  	[tilespmem:s25], [sflag:$0x4] =	stream.indirect_vreg.gather [hbm4b:s5+s24], $0x80, v5, vm0, $0xb8;
	[tilespmem:$0x10400] =	vst v63  }
0x81: {  	s25 =	simm.s32 $0xD400  }
0x82: {  	[tilespmem:s25], [sflag:$0x4] =	stream.indirect_vreg.gather [hbm4b:s6+s24], $0x80, v5, vm0, $0xb8;
	[tilespmem:$0x10400] =	vst v63  }
0x83: {  	s25 =	simm.s32 $0xDC00  }
0x84: {  	[tilespmem:s25], [sflag:$0x4] =	stream.indirect_vreg.gather [hbm4b:s7+s24], $0x80, v5, vm0, $0xb8;
	[tilespmem:$0x10400] =	vst v63  }
0x85: {  	s25 =	simm.s32 $0xE400  }
0x86: {  	[tilespmem:s25], [sflag:$0x4] =	stream.indirect_vreg.gather [hbm4b:s8+s24], $0x80, v5, vm0, $0xb8;
	[tilespmem:$0x10400] =	vst v63  }
0x87: {  	s25 =	simm.s32 $0xEC00  }
0x88: {  	[tilespmem:s25], [sflag:$0x4] =	stream.indirect_vreg.gather [hbm4b:s9+s24], $0x80, v5, vm0, $0xb8;
	[tilespmem:$0x10400] =	vst v63  }
0x89: {  	s25 =	simm.s32 $0xF400  }
0x8a: {  	[tilespmem:s25], [sflag:$0x4] =	stream.indirect_vreg.gather [hbm4b:s10+s24], $0x80, v5, vm0, $0xb8;
	[tilespmem:$0x10400] =	vst v63  }
0x8b: {  	s25 =	simm.s32 $0xFC00  }
0x8c: {  	[tilespmem:s25], [sflag:$0x4] =	stream.indirect_vreg.gather [hbm4b:s12+s24], $0x80, v5, vm0, $0xb8;
	[tilespmem:$0x10400] =	vst v63  }
0x8d: {  	_ =	swait.ge [sflag:s16], $0x4000  }
0x8e: {  	[sflag:s16] =	ssyncset.done $0x0  }
0x8f: {  	s25 =	rddreg [dreg:$0x8];
	[sflag:s16] =	ssyncadd.s32 $0xFFFFC000  }
0x90: {  	[hbm4b:s25+s24] =	stream.linear.scatter [tilespmem:s19], [sflag:$0x7], $0x4000, $0x38;
	[tilespmem:$0x10400] =	vst v63  }
0x91: {  	_ =	swait.ge [sflag:s17], $0x4000  }
0x92: {  	[sflag:s17] =	ssyncset.done $0x0  }
0x93: {  	[sflag:s17] =	ssyncadd.s32 $0xFFFFC000  }
0x94: {  	v5 =	vld.msk [tilespmem:$0x20], $0xff;
	_ =	sdelay $0x4  }
0x95: {  	v6 =	vshll.u32 v5, $0x4  }
0x96: {  	v5 =	vand.u32 $0x7, v5;
	v6 =	vand.u32 $0xFFFFFF80, v6  }
0x97: {  	v5 =	vor.u32 v5, v6  }
0x98: {  	v5 =	vperm.xlane v5, v3;
	_ =	sdelay $0x1  }
0x99: {  	v5 =	vadd.s32 v4, v5;
	_ =	sdelay $0x4  }
0x9a: {  	[tilespmem:s23], [sflag:$0x1] =	stream.indirect_vreg.gather [hbm4b:s1+s24], $0x80, v5, vm0, $0xb8;
	[tilespmem:$0x10400] =	vst v63  }
0x9b: {  	_ = 	snop  }
0x9c: {  	[tilespmem:s26], [sflag:$0x1] =	stream.indirect_vreg.gather [hbm4b:s5+s24], $0x80, v5, vm0, $0xb8;
	[tilespmem:$0x10400] =	vst v63  }
0x9d: {  	_ = 	snop  }
0x9e: {  	[tilespmem:s30], [sflag:$0x1] =	stream.indirect_vreg.gather [hbm4b:s6+s24], $0x80, v5, vm0, $0xb8;
	[tilespmem:$0x10400] =	vst v63  }
0x9f: {  	s25 =	simm.s32 $0x1C00  }
0xa0: {  	[tilespmem:s25], [sflag:$0x1] =	stream.indirect_vreg.gather [hbm4b:s7+s24], $0x80, v5, vm0, $0xb8;
	[tilespmem:$0x10400] =	vst v63  }
0xa1: {  	s26 =	simm.s32 $0x2400  }
0xa2: {  	[tilespmem:s26], [sflag:$0x1] =	stream.indirect_vreg.gather [hbm4b:s8+s24], $0x80, v5, vm0, $0xb8;
	[tilespmem:$0x10400] =	vst v63  }
0xa3: {  	s30 =	simm.s32 $0x2C00  }
0xa4: {  	[tilespmem:s30], [sflag:$0x1] =	stream.indirect_vreg.gather [hbm4b:s9+s24], $0x80, v5, vm0, $0xb8;
	[tilespmem:$0x10400] =	vst v63  }
0xa5: {  	s30 =	simm.s32 $0x3400  }
0xa6: {  	[tilespmem:s30], [sflag:$0x1] =	stream.indirect_vreg.gather [hbm4b:s10+s24], $0x80, v5, vm0, $0xb8;
	[tilespmem:$0x10400] =	vst v63  }
0xa7: {  	s26 =	simm.s32 $0x3C00  }
0xa8: {  	[tilespmem:s26], [sflag:$0x1] =	stream.indirect_vreg.gather [hbm4b:s12+s24], $0x80, v5, vm0, $0xb8;
	[tilespmem:$0x10400] =	vst v63  }
0xa9: {  	_ =	swait.ge [sflag:s20], $0x4000  }
0xaa: {  	[sflag:s20] =	ssyncset.done $0x0  }
0xab: {  	s30 =	rddreg [dreg:$0x9];
	[sflag:s20] =	ssyncadd.s32 $0xFFFFC000  }
0xac: {  	[hbm4b:s30+s24] =	stream.linear.scatter [tilespmem:s29], [sflag:$0x8], $0x4000, $0x38;
	[tilespmem:$0x10400] =	vst v63  }
0xad: {  	_ =	swait.ge [sflag:s11], $0x4000  }
0xae: {  	[sflag:s11] =	ssyncset.done $0x0  }
0xaf: {  	[sflag:s11] =	ssyncadd.s32 $0xFFFFC000  }
0xb0: {  	v5 =	vld.msk [tilespmem:$0x28], $0xff;
	_ =	sdelay $0x4  }
0xb1: {  	v6 =	vshll.u32 v5, $0x4  }
0xb2: {  	v5 =	vand.u32 $0x7, v5;
	v6 =	vand.u32 $0xFFFFFF80, v6  }
0xb3: {  	v5 =	vor.u32 v5, v6  }
0xb4: {  	v5 =	vperm.xlane v5, v3;
	_ =	sdelay $0x1  }
0xb5: {  	v5 =	vadd.s32 v4, v5;
	_ =	sdelay $0x4  }
0xb6: {  	[tilespmem:s0], [sflag:$0x2] =	stream.indirect_vreg.gather [hbm4b:s1+s24], $0x80, v5, vm0, $0xb8;
	[tilespmem:$0x10400] =	vst v63  }
0xb7: {  	s26 =	simm.s32 $0x4C00  }
0xb8: {  	[tilespmem:s26], [sflag:$0x2] =	stream.indirect_vreg.gather [hbm4b:s5+s24], $0x80, v5, vm0, $0xb8;
	[tilespmem:$0x10400] =	vst v63  }
0xb9: {  	s30 =	simm.s32 $0x5400  }
0xba: {  	[tilespmem:s30], [sflag:$0x2] =	stream.indirect_vreg.gather [hbm4b:s6+s24], $0x80, v5, vm0, $0xb8;
	[tilespmem:$0x10400] =	vst v63  }
0xbb: {  	s26 =	simm.s32 $0x5C00  }
0xbc: {  	[tilespmem:s26], [sflag:$0x2] =	stream.indirect_vreg.gather [hbm4b:s7+s24], $0x80, v5, vm0, $0xb8;
	[tilespmem:$0x10400] =	vst v63  }
0xbd: {  	s30 =	simm.s32 $0x6400  }
0xbe: {  	[tilespmem:s30], [sflag:$0x2] =	stream.indirect_vreg.gather [hbm4b:s8+s24], $0x80, v5, vm0, $0xb8;
	[tilespmem:$0x10400] =	vst v63  }
0xbf: {  	s26 =	simm.s32 $0x6C00  }
0xc0: {  	[tilespmem:s26], [sflag:$0x2] =	stream.indirect_vreg.gather [hbm4b:s9+s24], $0x80, v5, vm0, $0xb8;
	[tilespmem:$0x10400] =	vst v63  }
0xc1: {  	s30 =	simm.s32 $0x7400  }
0xc2: {  	[tilespmem:s30], [sflag:$0x2] =	stream.indirect_vreg.gather [hbm4b:s10+s24], $0x80, v5, vm0, $0xb8;
	[tilespmem:$0x10400] =	vst v63  }
0xc3: {  	s25 =	simm.s32 $0x48;
	s26 =	simm.s32 $0x7C00  }
0xc4: {  	[tilespmem:s26], [sflag:$0x2] =	stream.indirect_vreg.gather [hbm4b:s12+s24], $0x80, v5, vm0, $0xb8;
	[tilespmem:$0x10400] =	vst v63  }
.LBB2_4:
0xc5: {  	_ =	swait.ge [sflag:s18], $0x4000  }
0xc6: {  	s26 =	rddreg [dreg:$0x4]  }
0xc7: {  	[sflag:s18] =	ssyncset.done $0x0;
	s26 =	sadd.s32 s24, s26  }
0xc8: {  	[sflag:s18] =	ssyncadd.s32 $0xFFFFC000;
	s30 =	sadd.s32 $0x2000, s26  }
0xc9: {  	[hbm4b:s30+s3] =	stream.linear.scatter [tilespmem:s23], [sflag:$0x5], $0x4000, $0x38;
	[tilespmem:$0x10400] =	vst v63  }
0xca: {  	_ =	swait.ge [sflag:s22], $0x4000  }
0xcb: {  	[sflag:s22] =	ssyncset.done $0x0  }
0xcc: {  	[sflag:s22] =	ssyncadd.s32 $0xFFFFC000  }
0xcd: {  	v5 =	vld.msk [tilespmem:s25+$0xFFFFFFE8], $0xff;
	_ =	sdelay $0x4  }
0xce: {  	v6 =	vshll.u32 v5, $0x4  }
0xcf: {  	v5 =	vand.u32 $0x7, v5;
	v6 =	vand.u32 $0xFFFFFF80, v6  }
0xd0: {  	v5 =	vor.u32 v5, v6  }
0xd1: {  	v5 =	vperm.xlane v5, v3;
	_ =	sdelay $0x1  }
0xd2: {  	v5 =	vadd.s32 v4, v5;
	_ =	sdelay $0x4  }
0xd3: {  	[tilespmem:s19], [sflag:$0x3] =	stream.indirect_vreg.gather [hbm4b:s1+s3], $0x80, v5, vm0, $0xb8;
	[tilespmem:$0x10400] =	vst v63  }
0xd4: {  	_ = 	snop  }
0xd5: {  	[tilespmem:s31], [sflag:$0x3] =	stream.indirect_vreg.gather [hbm4b:s5+s3], $0x80, v5, vm0, $0xb8;
	[tilespmem:$0x10400] =	vst v63  }
0xd6: {  	_ = 	snop  }
0xd7: {  	[tilespmem:s2], [sflag:$0x3] =	stream.indirect_vreg.gather [hbm4b:s6+s3], $0x80, v5, vm0, $0xb8;
	[tilespmem:$0x10400] =	vst v63  }
0xd8: {  	_ = 	snop  }
0xd9: {  	[tilespmem:s4], [sflag:$0x3] =	stream.indirect_vreg.gather [hbm4b:s7+s3], $0x80, v5, vm0, $0xb8;
	[tilespmem:$0x10400] =	vst v63  }
0xda: {  	_ = 	snop  }
0xdb: {  	[tilespmem:s13], [sflag:$0x3] =	stream.indirect_vreg.gather [hbm4b:s8+s3], $0x80, v5, vm0, $0xb8;
	[tilespmem:$0x10400] =	vst v63  }
0xdc: {  	_ = 	snop  }
0xdd: {  	[tilespmem:s14], [sflag:$0x3] =	stream.indirect_vreg.gather [hbm4b:s9+s3], $0x80, v5, vm0, $0xb8;
	[tilespmem:$0x10400] =	vst v63  }
0xde: {  	_ = 	snop  }
0xdf: {  	[tilespmem:s15], [sflag:$0x3] =	stream.indirect_vreg.gather [hbm4b:s10+s3], $0x80, v5, vm0, $0xb8;
	[tilespmem:$0x10400] =	vst v63  }
0xe0: {  	s30 =	simm.s32 $0xBC00  }
0xe1: {  	[tilespmem:s30], [sflag:$0x3] =	stream.indirect_vreg.gather [hbm4b:s12+s3], $0x80, v5, vm0, $0xb8;
	[tilespmem:$0x10400] =	vst v63  }
0xe2: {  	_ =	swait.ge [sflag:s28], $0x4000  }
0xe3: {  	[sflag:s28] =	ssyncset.done $0x0  }
0xe4: {  	s30 =	sadd.s32 $0x2800, s26;
	[sflag:s28] =	ssyncadd.s32 $0xFFFFC000  }
0xe5: {  	[hbm4b:s30+s3] =	stream.linear.scatter [tilespmem:s0], [sflag:$0x6], $0x4000, $0x38;
	[tilespmem:$0x10400] =	vst v63  }
0xe6: {  	_ =	swait.ge [sflag:s21], $0x4000  }
0xe7: {  	[sflag:s21] =	ssyncset.done $0x0  }
0xe8: {  	[sflag:s21] =	ssyncadd.s32 $0xFFFFC000  }
0xe9: {  	v5 =	vld.msk [tilespmem:s25+$0xFFFFFFF0], $0xff;
	_ =	sdelay $0x4  }
0xea: {  	v6 =	vshll.u32 v5, $0x4  }
0xeb: {  	v5 =	vand.u32 $0x7, v5;
	v6 =	vand.u32 $0xFFFFFF80, v6  }
0xec: {  	v5 =	vor.u32 v5, v6  }
0xed: {  	v5 =	vperm.xlane v5, v3;
	_ =	sdelay $0x1  }
0xee: {  	v5 =	vadd.s32 v4, v5;
	_ =	sdelay $0x4  }
0xef: {  	[tilespmem:s29], [sflag:$0x4] =	stream.indirect_vreg.gather [hbm4b:s1+s3], $0x80, v5, vm0, $0xb8;
	[tilespmem:$0x10400] =	vst v63  }
0xf0: {  	s30 =	simm.s32 $0xCC00  }
0xf1: {  	[tilespmem:s30], [sflag:$0x4] =	stream.indirect_vreg.gather [hbm4b:s5+s3], $0x80, v5, vm0, $0xb8;
	[tilespmem:$0x10400] =	vst v63  }
0xf2: {  	s30 =	simm.s32 $0xD400  }
0xf3: {  	[tilespmem:s30], [sflag:$0x4] =	stream.indirect_vreg.gather [hbm4b:s6+s3], $0x80, v5, vm0, $0xb8;
	[tilespmem:$0x10400] =	vst v63  }
0xf4: {  	s30 =	simm.s32 $0xDC00  }
0xf5: {  	[tilespmem:s30], [sflag:$0x4] =	stream.indirect_vreg.gather [hbm4b:s7+s3], $0x80, v5, vm0, $0xb8;
	[tilespmem:$0x10400] =	vst v63  }
0xf6: {  	s30 =	simm.s32 $0xE400  }
0xf7: {  	[tilespmem:s30], [sflag:$0x4] =	stream.indirect_vreg.gather [hbm4b:s8+s3], $0x80, v5, vm0, $0xb8;
	[tilespmem:$0x10400] =	vst v63  }
0xf8: {  	s30 =	simm.s32 $0xEC00  }
0xf9: {  	[tilespmem:s30], [sflag:$0x4] =	stream.indirect_vreg.gather [hbm4b:s9+s3], $0x80, v5, vm0, $0xb8;
	[tilespmem:$0x10400] =	vst v63  }
0xfa: {  	s30 =	simm.s32 $0xF400  }
0xfb: {  	[tilespmem:s30], [sflag:$0x4] =	stream.indirect_vreg.gather [hbm4b:s10+s3], $0x80, v5, vm0, $0xb8;
	[tilespmem:$0x10400] =	vst v63  }
0xfc: {  	s30 =	simm.s32 $0xFC00  }
0xfd: {  	[tilespmem:s30], [sflag:$0x4] =	stream.indirect_vreg.gather [hbm4b:s12+s3], $0x80, v5, vm0, $0xb8;
	[tilespmem:$0x10400] =	vst v63  }
0xfe: {  	_ =	swait.ge [sflag:s16], $0x4000  }
0xff: {  	[sflag:s16] =	ssyncset.done $0x0  }
0x100: {  	s30 =	sadd.s32 $0x3000, s26;
	[sflag:s16] =	ssyncadd.s32 $0xFFFFC000  }
0x101: {  	[hbm4b:s30+s3] =	stream.linear.scatter [tilespmem:s19], [sflag:$0x7], $0x4000, $0x38;
	[tilespmem:$0x10400] =	vst v63  }
0x102: {  	_ =	swait.ge [sflag:s17], $0x4000  }
0x103: {  	[sflag:s17] =	ssyncset.done $0x0  }
0x104: {  	[sflag:s17] =	ssyncadd.s32 $0xFFFFC000  }
0x105: {  	v5 =	vld.msk [tilespmem:s25+$0xFFFFFFF8], $0xff;
	_ =	sdelay $0x4  }
0x106: {  	v6 =	vshll.u32 v5, $0x4  }
0x107: {  	v5 =	vand.u32 $0x7, v5;
	v6 =	vand.u32 $0xFFFFFF80, v6  }
0x108: {  	v5 =	vor.u32 v5, v6  }
0x109: {  	v5 =	vperm.xlane v5, v3;
	_ =	sdelay $0x1  }
0x10a: {  	v5 =	vadd.s32 v4, v5;
	_ =	sdelay $0x4  }
0x10b: {  	[tilespmem:s23], [sflag:$0x1] =	stream.indirect_vreg.gather [hbm4b:s1+s3], $0x80, v5, vm0, $0xb8;
	[tilespmem:$0x10400] =	vst v63  }
0x10c: {  	s30 =	simm.s32 $0xC00  }
0x10d: {  	[tilespmem:s30], [sflag:$0x1] =	stream.indirect_vreg.gather [hbm4b:s5+s3], $0x80, v5, vm0, $0xb8;
	[tilespmem:$0x10400] =	vst v63  }
0x10e: {  	s30 =	simm.s32 $0x1400  }
0x10f: {  	[tilespmem:s30], [sflag:$0x1] =	stream.indirect_vreg.gather [hbm4b:s6+s3], $0x80, v5, vm0, $0xb8;
	[tilespmem:$0x10400] =	vst v63  }
0x110: {  	s30 =	simm.s32 $0x1C00  }
0x111: {  	[tilespmem:s30], [sflag:$0x1] =	stream.indirect_vreg.gather [hbm4b:s7+s3], $0x80, v5, vm0, $0xb8;
	[tilespmem:$0x10400] =	vst v63  }
0x112: {  	s30 =	simm.s32 $0x2400  }
0x113: {  	[tilespmem:s30], [sflag:$0x1] =	stream.indirect_vreg.gather [hbm4b:s8+s3], $0x80, v5, vm0, $0xb8;
	[tilespmem:$0x10400] =	vst v63  }
0x114: {  	s30 =	simm.s32 $0x2C00  }
0x115: {  	[tilespmem:s30], [sflag:$0x1] =	stream.indirect_vreg.gather [hbm4b:s9+s3], $0x80, v5, vm0, $0xb8;
	[tilespmem:$0x10400] =	vst v63  }
0x116: {  	s30 =	simm.s32 $0x3400  }
0x117: {  	[tilespmem:s30], [sflag:$0x1] =	stream.indirect_vreg.gather [hbm4b:s10+s3], $0x80, v5, vm0, $0xb8;
	[tilespmem:$0x10400] =	vst v63  }
0x118: {  	s30 =	simm.s32 $0x3C00  }
0x119: {  	[tilespmem:s30], [sflag:$0x1] =	stream.indirect_vreg.gather [hbm4b:s12+s3], $0x80, v5, vm0, $0xb8;
	[tilespmem:$0x10400] =	vst v63  }
0x11a: {  	_ =	swait.ge [sflag:s20], $0x4000  }
0x11b: {  	[sflag:s20] =	ssyncset.done $0x0  }
0x11c: {  	s26 =	sadd.s32 $0x3800, s26;
	[sflag:s20] =	ssyncadd.s32 $0xFFFFC000  }
0x11d: {  	[hbm4b:s26+s3] =	stream.linear.scatter [tilespmem:s29], [sflag:$0x8], $0x4000, $0x38;
	[tilespmem:$0x10400] =	vst v63  }
0x11e: {  	_ =	swait.ge [sflag:s11], $0x4000  }
0x11f: {  	[sflag:s11] =	ssyncset.done $0x0  }
0x120: {  	[sflag:s11] =	ssyncadd.s32 $0xFFFFC000  }
0x121: {  	v5 =	vld.msk [tilespmem:s25+$0x0], $0xff;
	_ =	sdelay $0x4  }
0x122: {  	v6 =	vshll.u32 v5, $0x4  }
0x123: {  	v5 =	vand.u32 $0x7, v5;
	v6 =	vand.u32 $0xFFFFFF80, v6  }
0x124: {  	v5 =	vor.u32 v5, v6  }
0x125: {  	v5 =	vperm.xlane v5, v3;
	_ =	sdelay $0x1  }
0x126: {  	v5 =	vadd.s32 v4, v5;
	_ =	sdelay $0x4  }
0x127: {  	[tilespmem:s0], [sflag:$0x2] =	stream.indirect_vreg.gather [hbm4b:s1+s3], $0x80, v5, vm0, $0xb8;
	[tilespmem:$0x10400] =	vst v63  }
0x128: {  	s30 =	simm.s32 $0x4C00  }
0x129: {  	[tilespmem:s30], [sflag:$0x2] =	stream.indirect_vreg.gather [hbm4b:s5+s3], $0x80, v5, vm0, $0xb8;
	[tilespmem:$0x10400] =	vst v63  }
0x12a: {  	s30 =	simm.s32 $0x5400  }
0x12b: {  	[tilespmem:s30], [sflag:$0x2] =	stream.indirect_vreg.gather [hbm4b:s6+s3], $0x80, v5, vm0, $0xb8;
	[tilespmem:$0x10400] =	vst v63  }
0x12c: {  	s30 =	simm.s32 $0x5C00  }
0x12d: {  	[tilespmem:s30], [sflag:$0x2] =	stream.indirect_vreg.gather [hbm4b:s7+s3], $0x80, v5, vm0, $0xb8;
	[tilespmem:$0x10400] =	vst v63  }
0x12e: {  	s30 =	simm.s32 $0x6400  }
0x12f: {  	[tilespmem:s30], [sflag:$0x2] =	stream.indirect_vreg.gather [hbm4b:s8+s3], $0x80, v5, vm0, $0xb8;
	[tilespmem:$0x10400] =	vst v63  }
0x130: {  	p0 =	sne.s32 s24, $0x3A000;
	s30 =	simm.s32 $0x6C00  }
0x131: {  	[tilespmem:s30], [sflag:$0x2] =	stream.indirect_vreg.gather [hbm4b:s9+s3], $0x80, v5, vm0, $0xb8;
	[tilespmem:$0x10400] =	vst v63  }
.Ltmp1:
0x132: {  	_ = 	snop;
	(pc) =	sbr.rel @p0 .LBB2_4-.Ltmp1, $4  }
0x133: {  	s30 =	simm.s32 $0x7400  }
0x134: {  	[tilespmem:s30], [sflag:$0x2] =	stream.indirect_vreg.gather [hbm4b:s10+s3], $0x80, v5, vm0, $0xb8;
	[tilespmem:$0x10400] =	vst v63  }
0x135: {  	s24 =	sadd.s32 $0x2000, s24;
	s25 =	sadd.s32 $0x20, s25;
	s30 =	simm.s32 $0x7C00  }
0x136: {  	[tilespmem:s30], [sflag:$0x2] =	stream.indirect_vreg.gather [hbm4b:s12+s3], $0x80, v5, vm0, $0xb8;
	[tilespmem:$0x10400] =	vst v63  }
0x137: {  	_ =	swait.ge [sflag:s18], $0x4000  }
0x138: {  	[sflag:s18] =	ssyncset.done $0x0  }
0x139: {  	s24 =	rddreg [dreg:$0xa];
	[sflag:s18] =	ssyncadd.s32 $0xFFFFC000  }
0x13a: {  	[hbm4b:s24+s3] =	stream.linear.scatter [tilespmem:s23], [sflag:$0x5], $0x4000, $0x38;
	[tilespmem:$0x10400] =	vst v63  }
0x13b: {  	_ =	swait.ge [sflag:s22], $0x4000  }
0x13c: {  	[sflag:s22] =	ssyncset.done $0x0  }
0x13d: {  	[sflag:s22] =	ssyncadd.s32 $0xFFFFC000  }
0x13e: {  	v5 =	vld.msk [tilespmem:$0x3F0], $0xff;
	_ =	sdelay $0x4  }
0x13f: {  	v6 =	vshll.u32 v5, $0x4  }
0x140: {  	v5 =	vand.u32 $0x7, v5;
	v6 =	vand.u32 $0xFFFFFF80, v6  }
0x141: {  	v5 =	vor.u32 v5, v6  }
0x142: {  	v5 =	vperm.xlane v5, v3;
	_ =	sdelay $0x1  }
0x143: {  	v5 =	vadd.s32 v4, v5;
	_ =	sdelay $0x4  }
0x144: {  	[tilespmem:s19], [sflag:$0x3] =	stream.indirect_vreg.gather [hbm4b:s1+s3], $0x80, v5, vm0, $0xb8;
	[tilespmem:$0x10400] =	vst v63  }
0x145: {  	_ = 	snop  }
0x146: {  	[tilespmem:s31], [sflag:$0x3] =	stream.indirect_vreg.gather [hbm4b:s5+s3], $0x80, v5, vm0, $0xb8;
	[tilespmem:$0x10400] =	vst v63  }
0x147: {  	_ = 	snop  }
0x148: {  	[tilespmem:s2], [sflag:$0x3] =	stream.indirect_vreg.gather [hbm4b:s6+s3], $0x80, v5, vm0, $0xb8;
	[tilespmem:$0x10400] =	vst v63  }
0x149: {  	_ = 	snop  }
0x14a: {  	[tilespmem:s4], [sflag:$0x3] =	stream.indirect_vreg.gather [hbm4b:s7+s3], $0x80, v5, vm0, $0xb8;
	[tilespmem:$0x10400] =	vst v63  }
0x14b: {  	_ = 	snop  }
0x14c: {  	[tilespmem:s13], [sflag:$0x3] =	stream.indirect_vreg.gather [hbm4b:s8+s3], $0x80, v5, vm0, $0xb8;
	[tilespmem:$0x10400] =	vst v63  }
0x14d: {  	_ = 	snop  }
0x14e: {  	[tilespmem:s14], [sflag:$0x3] =	stream.indirect_vreg.gather [hbm4b:s9+s3], $0x80, v5, vm0, $0xb8;
	[tilespmem:$0x10400] =	vst v63  }
0x14f: {  	_ = 	snop  }
0x150: {  	[tilespmem:s15], [sflag:$0x3] =	stream.indirect_vreg.gather [hbm4b:s10+s3], $0x80, v5, vm0, $0xb8;
	[tilespmem:$0x10400] =	vst v63  }
0x151: {  	s30 =	simm.s32 $0xBC00  }
0x152: {  	[tilespmem:s30], [sflag:$0x3] =	stream.indirect_vreg.gather [hbm4b:s12+s3], $0x80, v5, vm0, $0xb8;
	[tilespmem:$0x10400] =	vst v63  }
0x153: {  	_ =	swait.ge [sflag:s28], $0x4000  }
0x154: {  	[sflag:s28] =	ssyncset.done $0x0  }
0x155: {  	s2 =	rddreg [dreg:$0xb];
	[sflag:s28] =	ssyncadd.s32 $0xFFFFC000  }
0x156: {  	[hbm4b:s2+s3] =	stream.linear.scatter [tilespmem:s0], [sflag:$0x6], $0x4000, $0x38;
	[tilespmem:$0x10400] =	vst v63  }
0x157: {  	_ =	swait.ge [sflag:s21], $0x4000  }
0x158: {  	[sflag:s21] =	ssyncset.done $0x0  }
0x159: {  	[sflag:s21] =	ssyncadd.s32 $0xFFFFC000  }
0x15a: {  	v5 =	vld.msk [tilespmem:$0x3F8], $0xff;
	_ =	sdelay $0x4  }
0x15b: {  	v6 =	vshll.u32 v5, $0x4  }
0x15c: {  	v5 =	vand.u32 $0x7, v5;
	v6 =	vand.u32 $0xFFFFFF80, v6  }
0x15d: {  	v5 =	vor.u32 v5, v6  }
0x15e: {  	v5 =	vperm.xlane v5, v3;
	_ =	sdelay $0x1  }
0x15f: {  	v5 =	vadd.s32 v4, v5;
	_ =	sdelay $0x4  }
0x160: {  	[tilespmem:s29], [sflag:$0x4] =	stream.indirect_vreg.gather [hbm4b:s1+s3], $0x80, v5, vm0, $0xb8;
	[tilespmem:$0x10400] =	vst v63  }
0x161: {  	s25 =	simm.s32 $0xCC00  }
0x162: {  	[tilespmem:s25], [sflag:$0x4] =	stream.indirect_vreg.gather [hbm4b:s5+s3], $0x80, v5, vm0, $0xb8;
	[tilespmem:$0x10400] =	vst v63  }
0x163: {  	s26 =	simm.s32 $0xD400  }
0x164: {  	[tilespmem:s26], [sflag:$0x4] =	stream.indirect_vreg.gather [hbm4b:s6+s3], $0x80, v5, vm0, $0xb8;
	[tilespmem:$0x10400] =	vst v63  }
0x165: {  	s30 =	simm.s32 $0xDC00  }
0x166: {  	[tilespmem:s30], [sflag:$0x4] =	stream.indirect_vreg.gather [hbm4b:s7+s3], $0x80, v5, vm0, $0xb8;
	[tilespmem:$0x10400] =	vst v63  }
0x167: {  	s24 =	simm.s32 $0xE400  }
0x168: {  	[tilespmem:s24], [sflag:$0x4] =	stream.indirect_vreg.gather [hbm4b:s8+s3], $0x80, v5, vm0, $0xb8;
	[tilespmem:$0x10400] =	vst v63  }
0x169: {  	s25 =	simm.s32 $0xEC00  }
0x16a: {  	[tilespmem:s25], [sflag:$0x4] =	stream.indirect_vreg.gather [hbm4b:s9+s3], $0x80, v5, vm0, $0xb8;
	[tilespmem:$0x10400] =	vst v63  }
0x16b: {  	s26 =	simm.s32 $0xF400  }
0x16c: {  	[tilespmem:s26], [sflag:$0x4] =	stream.indirect_vreg.gather [hbm4b:s10+s3], $0x80, v5, vm0, $0xb8;
	[tilespmem:$0x10400] =	vst v63  }
0x16d: {  	s30 =	simm.s32 $0xFC00  }
0x16e: {  	[tilespmem:s30], [sflag:$0x4] =	stream.indirect_vreg.gather [hbm4b:s12+s3], $0x80, v5, vm0, $0xb8;
	[tilespmem:$0x10400] =	vst v63  }
0x16f: {  	_ =	swait.ge [sflag:s16], $0x4000  }
0x170: {  	[sflag:s16] =	ssyncset.done $0x0  }
0x171: {  	s2 =	rddreg [dreg:$0xc];
	[sflag:s16] =	ssyncadd.s32 $0xFFFFC000  }
0x172: {  	[hbm4b:s2+s3] =	stream.linear.scatter [tilespmem:s19], [sflag:$0x7], $0x4000, $0x38;
	[tilespmem:$0x10400] =	vst v63  }
0x173: {  	_ =	swait.ge [sflag:s17], $0x4000  }
0x174: {  	[sflag:s17] =	ssyncset.done $0x0  }
0x175: {  	[sflag:s17] =	ssyncadd.s32 $0xFFFFC000  }
0x176: {  	_ =	swait.ge [sflag:s20], $0x4000  }
0x177: {  	[sflag:s20] =	ssyncset.done $0x0  }
0x178: {  	s25 =	rddreg [dreg:$0xd];
	[sflag:s20] =	ssyncadd.s32 $0xFFFFC000  }
0x179: {  	[hbm4b:s25+s3] =	stream.linear.scatter [tilespmem:s29], [sflag:$0x8], $0x4000, $0x38;
	[tilespmem:$0x10400] =	vst v63  }
0x17a: {  	_ =	swait.ge [sflag:s11], $0x4000  }
0x17b: {  	[sflag:s11] =	ssyncset.done $0x0  }
0x17c: {  	[sflag:s11] =	ssyncadd.s32 $0xFFFFC000  }
0x17d: {  	_ =	swait.ge [sflag:s22], $0x4000  }
0x17e: {  	[sflag:s22] =	ssyncset.done $0x0  }
0x17f: {  	[sflag:s22] =	ssyncadd.s32 $0xFFFFC000  }
0x180: {  	_ =	swait.ge [sflag:s21], $0x4000  }
0x181: {  	s26 =	rddreg [dreg:$0x10]  }
0x182: {  	s30 =	rddreg [dreg:$0xe];
	s2 =	sadd.s32 $0x1, s26  }
0x183: {  	p0 =	sne.s32 s2, s30  }
.Ltmp2:
0x184: {  	_ = 	snop;
	(pc) =	sbr.rel @p0 .LBB2_1-.Ltmp2, $3  }
0x185: {  	_ =	sdelay $0x1  }
0x186: {  	[sflag:s21] =	ssyncset.done $0x0  }
0x187: {  	[sflag:s21] =	ssyncadd.s32 $0xFFFFC000  }
0x188: {  	_ =	sfence.sel $0x180000  }
0x189: {  	[bflag:$0x0] =	sbarrier.arrive $0xFFFF  }
0x18a: {  	_ =	strace $0x90000047  }
0x18b: {  	s0 =	stileid.u32;
	[bflag:$0x2] =	sbarrier.arrive $0xFFFF  }
0x18c: {  	p0 =	sne.s32 s0, $0x0;
	s0 =	rddreg [dreg:$0x3]  }
0x18d: {  	s0 =	sadd.s32 @!p0 $0x100000, s0  }
0x18e: {  	[sflag:s0] =	ssyncadd.tile.s32 @!p0 $0x1;
	_ =	shalt  }
.Lfunc_end2:
_tile_overlayer_lowered:
.L_overlay_start_2:
0x18f: {  	(tag) =	ssettag $0x2  }
0x190: {  	s0 =	rddreg [dreg:$0x0];
	s2 =	stileid.u32  }
0x191: {  	s1 =	rddreg [dreg:$0x1];
	p0 =	sne.s32 s2, $0x0  }
0x192: {  	s3 =	rddreg [dreg:$0x2];
	[bflag:$0x3] =	sbarrier.arrive $0xFFFF;
	s2 =	simm.s32 @!p0 $0x1C09  }
0x193: {  	[timem:s3], [sflag:s2] =	dma.local @!p0 [hbm:s0], s1  }
0x194: {  	s0 =	simm.s32 @!p0 $0x9  }
0x195: {  	_ =	swait.ge @!p0 [sflag:s0], s1  }
0x196: {  	s1 =	ssub.s32 @!p0 $0x0, s1;
	[sflag:s0] =	ssyncset.done @!p0 $0x0  }
0x197: {  	[sflag:s0] =	ssyncadd.s32 @!p0 s1  }
0x198: {  	[bflag:$0x3] =	sbarrier.arrive $0xFFFF  }
0x199: {  	_ =	shalt  }

</sc_bundles>
